<compile_context>
chip_gen: v7x
topology: tpu7x:2x2x1
jax: 0.10.2.dev20260603
libtpu: 0.0.44.dev20260713+nightly
codegen_flags: <defaults>
</compile_context>

<pallas_src>
import functools

import jax
import jax.numpy as jnp
from jax import lax
from jax.experimental import pallas as pl
from jax.experimental.pallas import tpu as pltpu
from jax.experimental.pallas import tpu_sc as plsc

B, N, KNN = 2, 4096, 16
DP, DM = 128, 64
TW = 3 * DM
TOT = B * N * KNN

BLK1 = 256
BLK3 = 256

NC, NS = 2, 16
NW = NC * NS
PER_W = TOT // NW
CH = 128
N_CH = PER_W // CH

_HI = jax.lax.Precision.HIGHEST


def _stage1_body(xa_ref, xat_ref, xb_ref, sf_ref, tf_ref, fc1w_ref, fc1b_ref,
                 wq_ref, wk_ref, wv_ref, d1p_ref,
                 fidx_ref, q_ref, t_ref):
    b = pl.program_id(0)

    xa = xa_ref[0]
    xat = xat_ref[0]
    na_row = jnp.sum(xat * xat, axis=0, keepdims=True)

    xb = xb_ref[0]
    nb = jnp.sum(xb * xb, axis=1, keepdims=True)

    e = lax.dot_general(xb.astype(jnp.bfloat16), xa.astype(jnp.bfloat16),
                        (((1,), (1,)), ((), ())),
                        preferred_element_type=jnp.float32)
    d = -2.0 * e + nb + na_row

    col = lax.broadcasted_iota(jnp.int32, (BLK1, N), 1)
    lane_k = lax.broadcasted_iota(jnp.int32, (BLK1, KNN), 1)
    acc = jnp.zeros((BLK1, KNN), jnp.int32)
    for j in range(KNN):
        m = jnp.min(d, axis=1, keepdims=True)
        cand = jnp.where(d == m, col, N)
        idx = jnp.min(cand, axis=1, keepdims=True)
        acc = jnp.where(lane_k == j, idx + b * N, acc)
        d = jnp.where(col == idx, jnp.float32(jnp.inf), d)
    fidx_ref[0] = acc

    fc1b = fc1b_ref[...]
    sf = lax.dot(sf_ref[0], fc1w_ref[...], precision=_HI,
                 preferred_element_type=jnp.float32) + fc1b
    tf = lax.dot(tf_ref[0], fc1w_ref[...], precision=_HI,
                 preferred_element_type=jnp.float32) + fc1b
    q_ref[0] = lax.dot(tf, wq_ref[...], precision=_HI,
                       preferred_element_type=jnp.float32)
    t_ref[0, :, 0:DM] = lax.dot(sf, wk_ref[...], precision=_HI,
                                preferred_element_type=jnp.float32)
    t_ref[0, :, DM:2 * DM] = lax.dot(sf, wv_ref[...], precision=_HI,
                                     preferred_element_type=jnp.float32)
    t_ref[0, :, 2 * DM:TW] = lax.dot(xb, d1p_ref[...], precision=_HI,
                                     preferred_element_type=jnp.float32)


def _stage1(xyz_pad, xyz_t, search_feat, template_feat, fc1_w, fc1b2, wq, wk, wv,
            d1_pad):
    grid = (B, N // BLK1)
    full = lambda shp: pl.BlockSpec(shp, lambda b, i: (0,) * len(shp))
    return pl.pallas_call(
        _stage1_body,
        grid=grid,
        in_specs=[
            pl.BlockSpec((1, N, 8), lambda b, i: (b, 0, 0)),
            pl.BlockSpec((1, 8, N), lambda b, i: (b, 0, 0)),
            pl.BlockSpec((1, BLK1, 8), lambda b, i: (b, i, 0)),
            pl.BlockSpec((1, BLK1, DP), lambda b, i: (b, i, 0)),
            pl.BlockSpec((1, BLK1, DP), lambda b, i: (b, i, 0)),
            full((DP, DM)), full((1, DM)),
            full((DM, DM)), full((DM, DM)), full((DM, DM)),
            full((8, DM)),
        ],
        out_specs=[
            pl.BlockSpec((1, BLK1, KNN), lambda b, i: (b, i, 0)),
            pl.BlockSpec((1, BLK1, DM), lambda b, i: (b, i, 0)),
            pl.BlockSpec((1, BLK1, TW), lambda b, i: (b, i, 0)),
        ],
        out_shape=[
            jax.ShapeDtypeStruct((B, N, KNN), jnp.int32),
            jax.ShapeDtypeStruct((B, N, DM), jnp.float32),
            jax.ShapeDtypeStruct((B, N, TW), jnp.float32),
        ],
    )(xyz_pad, xyz_t, xyz_pad, search_feat, template_feat, fc1_w, fc1b2,
      wq, wk, wv, d1_pad)


def _sc_gather_body(table_hbm, idx_hbm, out_hbm, idx_v, rows_v, sem):
    wid = lax.axis_index("s") * NC + lax.axis_index("c")
    base = wid * PER_W

    def chunk(i, _):
        off = base + i * CH
        pltpu.sync_copy(idx_hbm.at[pl.ds(off, CH)], idx_v)
        pltpu.async_copy(table_hbm.at[idx_v], rows_v, sem).wait()
        pltpu.sync_copy(rows_v, out_hbm.at[pl.ds(off, CH)])
        return 0

    lax.fori_loop(0, N_CH, chunk, 0)


def _sc_gather(table, fidx):
    mesh = plsc.VectorSubcoreMesh(core_axis_name="c", subcore_axis_name="s",
                                  num_cores=NC, num_subcores=NS)
    f = functools.partial(
        pl.kernel,
        out_type=jax.ShapeDtypeStruct((TOT, TW), jnp.float32),
        mesh=mesh,
        scratch_types=[
            pltpu.VMEM((CH,), jnp.int32),
            pltpu.VMEM((CH, TW), jnp.float32),
            pltpu.SemaphoreType.DMA,
        ],
        compiler_params=pltpu.CompilerParams(use_tc_tiling_on_sc=False),
    )(_sc_gather_body)
    return f(table, fidx)


def _stage3_body(g_ref, q_ref, t_ref, pre_ref,
                 d1b_ref, d2w_ref, d2b_ref, g1w_ref, g1b_ref,
                 g2w_ref, g2b_ref, fc3w_ref, fc3b_ref,
                 attn_ref, res_ref):
    R = BLK3 * KNN
    g = g_ref[...]
    kg = g[:, 0:DM]
    vg = g[:, DM:2 * DM]
    xdg = g[:, 2 * DM:TW]
    xdn = t_ref[:, 2 * DM:TW]
    q = q_ref[...]

    pe1 = jnp.maximum(
        xdn[:, None, :] - xdg.reshape(BLK3, KNN, DM) + d1b_ref[...], 0.0)
    pe = lax.dot(pe1.reshape(R, DM), d2w_ref[...], precision=_HI,
                 preferred_element_type=jnp.float32) + d2b_ref[...]
    pe3 = pe.reshape(BLK3, KNN, DM)

    t3 = q[:, None, :] - kg.reshape(BLK3, KNN, DM) + pe3
    a1 = jnp.maximum(
        lax.dot(t3.reshape(R, DM), g1w_ref[...], precision=_HI,
                preferred_element_type=jnp.float32) + g1b_ref[...], 0.0)
    al = lax.dot(a1, g2w_ref[...], precision=_HI,
                 preferred_element_type=jnp.float32) + g2b_ref[...]

    s3 = (al * 0.125).reshape(BLK3, KNN, DM)
    m = jnp.max(s3, axis=1, keepdims=True)
    ex = jnp.exp(s3 - m)
    attn3 = ex / jnp.sum(ex, axis=1, keepdims=True)
    attn_ref[...] = attn3.reshape(R, DM)

    r = jnp.sum(attn3 * (vg.reshape(BLK3, KNN, DM) + pe3), axis=1)
    res_ref[...] = (lax.dot(r, fc3w_ref[...], precision=_HI,
                            preferred_element_type=jnp.float32)
                    + fc3b_ref[...] + pre_ref[...])


def _stage3(gathered, q2, t2, pre2, d1b2, d2_w, d2b2, g1_w, g1b2, g2_w,
            g2b2, fc3_w, fc3b2):
    grid = (B * N // BLK3,)
    full = lambda shp: pl.BlockSpec(shp, lambda i: (0,) * len(shp))
    return pl.pallas_call(
        _stage3_body,
        grid=grid,
        in_specs=[
            pl.BlockSpec((BLK3 * KNN, TW), lambda i: (i, 0)),
            pl.BlockSpec((BLK3, DM), lambda i: (i, 0)),
            pl.BlockSpec((BLK3, TW), lambda i: (i, 0)),
            pl.BlockSpec((BLK3, DP), lambda i: (i, 0)),
            full((1, DM)), full((DM, DM)), full((1, DM)),
            full((DM, DM)), full((1, DM)),
            full((DM, DM)), full((1, DM)),
            full((DM, DP)), full((1, DP)),
        ],
        out_specs=[
            pl.BlockSpec((BLK3 * KNN, DM), lambda i: (i, 0)),
            pl.BlockSpec((BLK3, DP), lambda i: (i, 0)),
        ],
        out_shape=[
            jax.ShapeDtypeStruct((TOT, DM), jnp.float32),
            jax.ShapeDtypeStruct((B * N, DP), jnp.float32),
        ],
    )(gathered, q2, t2, pre2, d1b2, d2_w, d2b2, g1_w, g1b2, g2_w, g2b2,
      fc3_w, fc3b2)


def kernel(xyz, search_feat, template_feat, fc1_w, fc1_b, fc3_w, fc3_b,
           d1_w, d1_b, d2_w, d2_b, g1_w, g1_b, g2_w, g2_b, wq, wk, wv):
    xyz_pad = jnp.pad(xyz, ((0, 0), (0, 0), (0, 5)))
    d1_pad = jnp.zeros((8, DM), jnp.float32).at[:3].set(d1_w)

    xyz_t = jnp.transpose(xyz_pad, (0, 2, 1))
    fidx, q, t = _stage1(xyz_pad, xyz_t, search_feat, template_feat,
                         fc1_w, fc1_b.reshape(1, DM), wq, wk, wv, d1_pad)

    gathered = _sc_gather(t.reshape(B * N, TW), fidx.reshape(TOT))

    attn_flat, res2 = _stage3(
        gathered, q.reshape(B * N, DM), t.reshape(B * N, TW),
        search_feat.reshape(B * N, DP),
        d1_b.reshape(1, DM), d2_w, d2_b.reshape(1, DM),
        g1_w, g1_b.reshape(1, DM), g2_w, g2_b.reshape(1, DM),
        fc3_w, fc3_b.reshape(1, DP))

    return (res2.reshape(B, N, DP), attn_flat.reshape(B, N, KNN, DM))

# --- scband reference (transcript-rebuilt; emitter-appended) ---
"""Pipeline reference for scband-cross-attention-block-35802847379568 (READ-ONLY COPY).

The authoritative reference and input builder live on the scoring server;
editing this copy changes nothing except your own understanding.
"""

import jax, jax.numpy as jnp
import numpy as np

B, N, K = 2, 4096, 16
D_POINTS, D_MODEL = 128, 64


def square_distance(src, dst):
    d = -2.0 * jnp.einsum('bnc,bmc->bnm', src, dst)
    d = d + jnp.sum(src ** 2, axis=-1)[:, :, None]
    d = d + jnp.sum(dst ** 2, axis=-1)[:, None, :]
    return d


def index_points(points, idx):
    # points: [B, N, C], idx: [B, S, K] -> [B, S, K, C]
    b = jnp.arange(points.shape[0])[:, None, None]
    return points[b, idx]


def setup_inputs(seed: int = 0):
    key = jax.random.key(seed)
    ks = jax.random.split(key, 20)

    def lin(k, din, dout):
        return (jax.random.normal(k, (din, dout), jnp.float32) / np.sqrt(din)).astype(jnp.float32)

    return {
        'xyz': jax.random.normal(ks[0], (B, N, 3), jnp.float32),
        'search_feat': jax.random.normal(ks[1], (B, N, D_POINTS), jnp.float32),
        'template_feat': jax.random.normal(ks[2], (B, N, D_POINTS), jnp.float32),
        'fc1_w': lin(ks[3], D_POINTS, D_MODEL), 'fc1_b': jnp.zeros((D_MODEL,), jnp.float32),
        'fc3_w': lin(ks[4], D_MODEL, D_POINTS), 'fc3_b': jnp.zeros((D_POINTS,), jnp.float32),
        'd1_w': lin(ks[5], 3, D_MODEL), 'd1_b': jnp.zeros((D_MODEL,), jnp.float32),
        'd2_w': lin(ks[6], D_MODEL, D_MODEL), 'd2_b': jnp.zeros((D_MODEL,), jnp.float32),
        'g1_w': lin(ks[7], D_MODEL, D_MODEL), 'g1_b': jnp.zeros((D_MODEL,), jnp.float32),
        'g2_w': lin(ks[8], D_MODEL, D_MODEL), 'g2_b': jnp.zeros((D_MODEL,), jnp.float32),
        'wq': lin(ks[9], D_MODEL, D_MODEL),
        'wk': lin(ks[10], D_MODEL, D_MODEL),
        'wv': lin(ks[11], D_MODEL, D_MODEL),
    }


def reference(xyz, search_feat, template_feat, fc1_w, fc1_b, fc3_w, fc3_b,
              d1_w, d1_b, d2_w, d2_b, g1_w, g1_b, g2_w, g2_b, wq, wk, wv):
    dists = square_distance(xyz, xyz)
    knn_idx = jnp.argsort(dists, axis=-1)[:, :, :K]
    knn_xyz = index_points(xyz, knn_idx)
    pre = search_feat
    sf = search_feat @ fc1_w + fc1_b
    tf = template_feat @ fc1_w + fc1_b
    q = tf @ wq
    k_g = index_points(sf @ wk, knn_idx)
    v_g = index_points(sf @ wv, knn_idx)
    pos_enc = jax.nn.relu((xyz[:, :, None] - knn_xyz) @ d1_w + d1_b) @ d2_w + d2_b
    attn = jax.nn.relu((q[:, :, None] - k_g + pos_enc) @ g1_w + g1_b) @ g2_w + g2_b
    attn = jax.nn.softmax(attn / np.sqrt(k_g.shape[-1]), axis=-2)
    res = jnp.einsum('bmnf,bmnf->bmf', attn, v_g + pos_enc)
    res = res @ fc3_w + fc3_b + pre
    return (res, attn)

if __name__ == "__main__":
    import jax
    _d = setup_inputs()
    print(jax.jit(kernel)(*tuple(_d.values())))

</pallas_src>

<mosaic_0001>
#map = affine_map<(d0, d1) -> (0, 0)>
#map1 = affine_map<(d0, d1) -> (0)>
module attributes {stable_mosaic.version = 14 : i64} {
  func.func @_sc_gather_body(%arg0: i32, %arg1: i32, %arg2: memref<8192x192xf32, #tpu.memory_space<hbm>>, %arg3: memref<131072xi32, #tpu.memory_space<hbm>>, %arg4: memref<131072x192xf32, #tpu.memory_space<hbm>>, %arg5: memref<128xi32, #tpu.memory_space<vmem>>, %arg6: memref<128x192xf32, #tpu.memory_space<vmem>>, %arg7: memref<!tpu.dma_semaphore, #tpu.memory_space<semaphore_mem>>) attributes {dimension_semantics = [#tpu.dimension_semantics<core_parallel>, #tpu.dimension_semantics<subcore_parallel>], iteration_bounds = array<i64: 2, 16>, scalar_prefetch = 0 : i64, scratch_operands = 3 : i64, tpu.core_type = #tpu.core_type<sc_vector_subcore>, window_params = [{transform_indices = #map}, {transform_indices = #map1}, {transform_indices = #map}]} {
    %mul3A = arith.constant 2 : i32
    %mul3A_0 = arith.muli %arg1, %mul3A : i32
    %add3A = arith.addi %mul3A_0, %arg0 : i32
    %mul3A_1 = arith.constant 4096 : i32
    %mul3A_2 = arith.muli %add3A, %mul3A_1 : i32
    %scan3A = arith.constant 0 : i32
    %scan3A_3 = arith.constant 0 : i32
    %scan3A_4 = arith.constant 32 : i32
    %scan3A_5 = arith.addi %scan3A_3, %scan3A_4 : i32
    %scan3A_6 = arith.constant 1 : i32
    %scan3A_7 = scf.for %scan3A_9 = %scan3A_3 to %scan3A_5 step %scan3A_6 iter_args(%scan3A_10 = %scan3A) -> (i32)  : i32 {
      %mul3A_11 = arith.constant 128 : i32
      %mul3A_12 = arith.muli %scan3A_9, %mul3A_11 : i32
      %add3A_13 = arith.addi %mul3A_2, %mul3A_12 : i32
      "tpu.region"() ({
        %run_scoped3A = tpu.sem_alloc : memref<!tpu.dma_semaphore, #tpu.memory_space<semaphore_mem>>
        %dma_start3A_19 = tpu.memref_slice %arg3[%add3A_13] : memref<131072xi32, #tpu.memory_space<hbm>> -> memref<128xi32, #tpu.memory_space<hbm>>
        %dma_start3A_20 = tpu.memref_slice %arg3[%add3A_13] : memref<131072xi32, #tpu.memory_space<hbm>> -> memref<128xi32, #tpu.memory_space<hbm>>
        tpu.enqueue_dma source(%dma_start3A_20 : memref<128xi32, #tpu.memory_space<hbm>>) target(%arg5 : memref<128xi32, #tpu.memory_space<vmem>>) target_semaphore(%run_scoped3A : memref<!tpu.dma_semaphore, #tpu.memory_space<semaphore_mem>>)
        %dma_wait3A_21 = tpu.memref_slice %arg3[%add3A_13] : memref<131072xi32, #tpu.memory_space<hbm>> -> memref<128xi32, #tpu.memory_space<hbm>>
        %dma_wait3A_22 = tpu.memref_slice %arg3[%add3A_13] : memref<131072xi32, #tpu.memory_space<hbm>> -> memref<128xi32, #tpu.memory_space<hbm>>
        tpu.wait_dma2 semaphore(%run_scoped3A : memref<!tpu.dma_semaphore, #tpu.memory_space<semaphore_mem>>) src(%dma_wait3A_22 : memref<128xi32, #tpu.memory_space<hbm>>) dst(%arg5 : memref<128xi32, #tpu.memory_space<vmem>>)
        tpu.yield
      }) : () -> ()
      %dma_start3A = arith.constant 0 : i32
      %dma_start3A_14 = arith.constant 0 : i32
      %dma_start3A_15 = tpu.memref_slice %arg2[%dma_start3A, %dma_start3A_14] : memref<8192x192xf32, #tpu.memory_space<hbm>> -> memref<8192x192xf32, #tpu.memory_space<hbm>>
      tpu.enqueue_indirect_dma source(%dma_start3A_15 : memref<8192x192xf32, #tpu.memory_space<hbm>>) target(%arg6 : memref<128x192xf32, #tpu.memory_space<vmem>>) offsets(%arg5 : memref<128xi32, #tpu.memory_space<vmem>>) semaphore(%arg7 : memref<!tpu.dma_semaphore, #tpu.memory_space<semaphore_mem>>)
      %dma_wait3A = arith.constant 0 : i32
      %dma_wait3A_16 = arith.constant 0 : i32
      %dma_wait3A_17 = tpu.memref_slice %arg2[%dma_wait3A, %dma_wait3A_16] : memref<8192x192xf32, #tpu.memory_space<hbm>> -> memref<8192x192xf32, #tpu.memory_space<hbm>>
      tpu.wait_indirect_dma semaphore(%arg7 : memref<!tpu.dma_semaphore, #tpu.memory_space<semaphore_mem>>) src(%dma_wait3A_17 : memref<8192x192xf32, #tpu.memory_space<hbm>>) dst(%arg6 : memref<128x192xf32, #tpu.memory_space<vmem>>)
      "tpu.region"() ({
        %run_scoped3A = tpu.sem_alloc : memref<!tpu.dma_semaphore, #tpu.memory_space<semaphore_mem>>
        %dma_start3A_19 = arith.constant 0 : i32
        %dma_start3A_20 = tpu.memref_slice %arg4[%add3A_13, %dma_start3A_19] : memref<131072x192xf32, #tpu.memory_space<hbm>> -> memref<128x192xf32, #tpu.memory_space<hbm>>
        %dma_start3A_21 = arith.constant 0 : i32
        %dma_start3A_22 = tpu.memref_slice %arg4[%add3A_13, %dma_start3A_21] : memref<131072x192xf32, #tpu.memory_space<hbm>> -> memref<128x192xf32, #tpu.memory_space<hbm>>
        tpu.enqueue_dma source(%arg6 : memref<128x192xf32, #tpu.memory_space<vmem>>) target(%dma_start3A_22 : memref<128x192xf32, #tpu.memory_space<hbm>>) target_semaphore(%run_scoped3A : memref<!tpu.dma_semaphore, #tpu.memory_space<semaphore_mem>>)
        %dma_wait3A_23 = arith.constant 0 : i32
        %dma_wait3A_24 = tpu.memref_slice %arg4[%add3A_13, %dma_wait3A_23] : memref<131072x192xf32, #tpu.memory_space<hbm>> -> memref<128x192xf32, #tpu.memory_space<hbm>>
        %dma_wait3A_25 = arith.constant 0 : i32
        %dma_wait3A_26 = tpu.memref_slice %arg4[%add3A_13, %dma_wait3A_25] : memref<131072x192xf32, #tpu.memory_space<hbm>> -> memref<128x192xf32, #tpu.memory_space<hbm>>
        tpu.wait_dma2 semaphore(%run_scoped3A : memref<!tpu.dma_semaphore, #tpu.memory_space<semaphore_mem>>) src(%arg6 : memref<128x192xf32, #tpu.memory_space<vmem>>) dst(%dma_wait3A_26 : memref<128x192xf32, #tpu.memory_space<hbm>>)
        tpu.yield
      }) : () -> ()
      %scan3A_18 = arith.constant 0 : i32
      scf.yield %scan3A_18 : i32
    }
    %scan3A_8 = arith.constant 32 : i32
    return
  }
}

module attributes {stable_mosaic.version = 14 : i64} {
  func.func @_stage1_body(%arg0: i32, %arg1: i32, %arg2: memref<1x4096x8xf32, #tpu.memory_space<vmem>>, %arg3: memref<1x8x4096xf32, #tpu.memory_space<vmem>>, %arg4: memref<1x256x8xf32, #tpu.memory_space<vmem>>, %arg5: memref<1x256x128xf32, #tpu.memory_space<vmem>>, %arg6: memref<1x256x128xf32, #tpu.memory_space<vmem>>, %arg7: memref<128x64xf32, #tpu.memory_space<vmem>>, %arg8: memref<1x64xf32, #tpu.memory_space<vmem>>, %arg9: memref<64x64xf32, #tpu.memory_space<vmem>>, %arg10: memref<64x64xf32, #tpu.memory_space<vmem>>, %arg11: memref<64x64xf32, #tpu.memory_space<vmem>>, %arg12: memref<8x64xf32, #tpu.memory_space<vmem>>, %arg13: memref<1x256x16xi32, #tpu.memory_space<vmem>>, %arg14: memref<1x256x64xf32, #tpu.memory_space<vmem>>, %arg15: memref<1x256x192xf32, #tpu.memory_space<vmem>>) attributes {dimension_semantics = [#tpu.dimension_semantics<arbitrary>, #tpu.dimension_semantics<arbitrary>], iteration_bounds = array<i64: 2, 16>, scalar_prefetch = 0 : i64, scratch_operands = 0 : i64, tpu.core_type = #tpu.core_type<tc>, window_params = [{transform_indices = @transform_0, window_bounds = array<i64: 1, 4096, 8>}, {transform_indices = @transform_1, window_bounds = array<i64: 1, 8, 4096>}, {transform_indices = @transform_2, window_bounds = array<i64: 1, 256, 8>}, {transform_indices = @transform_3, window_bounds = array<i64: 1, 256, 128>}, {transform_indices = @transform_4, window_bounds = array<i64: 1, 256, 128>}, {pipeline_mode = #tpu.pipeline_mode<synchronous>, transform_indices = @transform_5, window_bounds = array<i64: 128, 64>}, {pipeline_mode = #tpu.pipeline_mode<synchronous>, transform_indices = @transform_6, window_bounds = array<i64: 1, 64>}, {pipeline_mode = #tpu.pipeline_mode<synchronous>, transform_indices = @transform_7, window_bounds = array<i64: 64, 64>}, {pipeline_mode = #tpu.pipeline_mode<synchronous>, transform_indices = @transform_8, window_bounds = array<i64: 64, 64>}, {pipeline_mode = #tpu.pipeline_mode<synchronous>, transform_indices = @transform_9, window_bounds = array<i64: 64, 64>}, {pipeline_mode = #tpu.pipeline_mode<synchronous>, transform_indices = @transform_10, window_bounds = array<i64: 8, 64>}, {transform_indices = @transform_11, window_bounds = array<i64: 1, 256, 16>}, {transform_indices = @transform_12, window_bounds = array<i64: 1, 256, 64>}, {transform_indices = @transform_13, window_bounds = array<i64: 1, 256, 192>}]} {
    %get3A = arith.constant 0 : index
    %get3A_0 = arith.constant 0 : index
    %get3A_1 = arith.constant 0 : index
    %get3A_2 = vector.load %arg2[%get3A, %get3A_0, %get3A_1] : memref<1x4096x8xf32, #tpu.memory_space<vmem>>, vector<1x4096x8xf32>
    %get3A_3 = vector.shape_cast %get3A_2 : vector<1x4096x8xf32> to vector<4096x8xf32>
    %get3A_4 = arith.constant 0 : index
    %get3A_5 = arith.constant 0 : index
    %get3A_6 = arith.constant 0 : index
    %get3A_7 = vector.load %arg3[%get3A_4, %get3A_5, %get3A_6] : memref<1x8x4096xf32, #tpu.memory_space<vmem>>, vector<1x8x4096xf32>
    %get3A_8 = vector.shape_cast %get3A_7 : vector<1x8x4096xf32> to vector<8x4096xf32>
    %mul3A = arith.mulf %get3A_8, %get3A_8 : vector<8x4096xf32>
    %reduce_sum3A = arith.constant dense<0.000000e+00> : vector<4096xf32>
    %reduce_sum3A_9 = vector.multi_reduction <add>, %mul3A, %reduce_sum3A [0] : vector<8x4096xf32> to vector<4096xf32>
    %broadcast_in_dim3A = vector.shape_cast %reduce_sum3A_9 : vector<4096xf32> to vector<1x4096xf32>
    %get3A_10 = arith.constant 0 : index
    %get3A_11 = arith.constant 0 : index
    %get3A_12 = arith.constant 0 : index
    %get3A_13 = vector.load %arg4[%get3A_10, %get3A_11, %get3A_12] : memref<1x256x8xf32, #tpu.memory_space<vmem>>, vector<1x256x8xf32>
    %get3A_14 = vector.shape_cast %get3A_13 : vector<1x256x8xf32> to vector<256x8xf32>
    %mul3A_15 = arith.mulf %get3A_14, %get3A_14 : vector<256x8xf32>
    %reduce_sum3A_16 = arith.constant dense<0.000000e+00> : vector<256xf32>
    %reduce_sum3A_17 = vector.multi_reduction <add>, %mul3A_15, %reduce_sum3A_16 [1] : vector<256x8xf32> to vector<256xf32>
    %broadcast_in_dim3A_18 = vector.shape_cast %reduce_sum3A_17 : vector<256xf32> to vector<256x1xf32>
    %convert_element_type3A = arith.truncf %get3A_14 : vector<256x8xf32> to vector<256x8xbf16>
    %convert_element_type3A_19 = arith.truncf %get3A_3 : vector<4096x8xf32> to vector<4096x8xbf16>
    %dot_general3A = arith.constant dense<0.000000e+00> : vector<256x4096xf32>
    %dot_general3A_20 = tpu.matmul %convert_element_type3A, %convert_element_type3A_19, %dot_general3A {dimension_numbers = #tpu.dot_dimension_numbers<[1], [1], [0], [0], [0, 0, 1, 0], [], []>, transpose_lhs_hint = false} : vector<256x8xbf16>, vector<4096x8xbf16>, vector<256x4096xf32> -> vector<256x4096xf32>
    %mul3A_21 = arith.constant -2.000000e+00 : f32
    %mul3A_22 = vector.broadcast %mul3A_21 : f32 to vector<256x4096xf32>
    %mul3A_23 = arith.mulf %mul3A_22, %dot_general3A_20 : vector<256x4096xf32>
    %add3A = vector.broadcast %broadcast_in_dim3A_18 : vector<256x1xf32> to vector<256x4096xf32>
    %add3A_24 = arith.addf %mul3A_23, %add3A : vector<256x4096xf32>
    %add3A_25 = vector.broadcast %broadcast_in_dim3A : vector<1x4096xf32> to vector<256x4096xf32>
    %add3A_26 = arith.addf %add3A_24, %add3A_25 : vector<256x4096xf32>
    %iota3A = tpu.iota {dimensions = array<i32: 1>} : vector<256x4096xi32>
    %iota3A_27 = tpu.iota {dimensions = array<i32: 1>} : vector<256x16xi32>
    %broadcast_in_dim3A_28 = arith.constant 0 : i32
    %broadcast_in_dim3A_29 = vector.broadcast %broadcast_in_dim3A_28 : i32 to vector<256x16xi32>
    %reduce_min3A = arith.constant dense<0x7F800000> : vector<256xf32>
    %reduce_min3A_30 = vector.multi_reduction <minimumf>, %add3A_26, %reduce_min3A [1] : vector<256x4096xf32> to vector<256xf32>
    %broadcast_in_dim3A_31 = vector.shape_cast %reduce_min3A_30 : vector<256xf32> to vector<256x1xf32>
    %eq3A = vector.broadcast %broadcast_in_dim3A_31 : vector<256x1xf32> to vector<256x4096xf32>
    %eq3A_32 = arith.cmpf oeq, %add3A_26, %eq3A : vector<256x4096xf32>
    %jit3A = arith.constant 4096 : i32
    %broadcast_in_dim3A_33 = vector.broadcast %jit3A : i32 to vector<256x4096xi32>
    %select_n3A = arith.select %eq3A_32, %iota3A, %broadcast_in_dim3A_33 : vector<256x4096xi1>, vector<256x4096xi32>
    %reduce_min3A_34 = arith.constant dense<2147483647> : vector<256xi32>
    %reduce_min3A_35 = vector.multi_reduction <minsi>, %select_n3A, %reduce_min3A_34 [1] : vector<256x4096xi32> to vector<256xi32>
    %broadcast_in_dim3A_36 = vector.shape_cast %reduce_min3A_35 : vector<256xi32> to vector<256x1xi32>
    %eq3A_37 = arith.constant 0 : i32
    %eq3A_38 = vector.broadcast %eq3A_37 : i32 to vector<256x16xi32>
    %eq3A_39 = arith.cmpi eq, %iota3A_27, %eq3A_38 : vector<256x16xi32>
    %mul3A_40 = arith.constant 4096 : i32
    %mul3A_41 = arith.muli %arg0, %mul3A_40 : i32
    %add3A_42 = vector.broadcast %mul3A_41 : i32 to vector<256x1xi32>
    %add3A_43 = arith.addi %broadcast_in_dim3A_36, %add3A_42 : vector<256x1xi32>
    %broadcast_in_dim3A_44 = vector.shape_cast %add3A_43 : vector<256x1xi32> to vector<256x1xi32>
    %broadcast_in_dim3A_45 = vector.broadcast %broadcast_in_dim3A_44 : vector<256x1xi32> to vector<256x16xi32>
    %select_n3A_46 = arith.select %eq3A_39, %broadcast_in_dim3A_45, %broadcast_in_dim3A_29 : vector<256x16xi1>, vector<256x16xi32>
    %eq3A_47 = vector.broadcast %broadcast_in_dim3A_36 : vector<256x1xi32> to vector<256x4096xi32>
    %eq3A_48 = arith.cmpi eq, %iota3A, %eq3A_47 : vector<256x4096xi32>
    %jit3A_49 = arith.constant 0x7F800000 : f32
    %broadcast_in_dim3A_50 = vector.broadcast %jit3A_49 : f32 to vector<256x4096xf32>
    %select_n3A_51 = arith.select %eq3A_48, %broadcast_in_dim3A_50, %add3A_26 : vector<256x4096xi1>, vector<256x4096xf32>
    %reduce_min3A_52 = arith.constant dense<0x7F800000> : vector<256xf32>
    %reduce_min3A_53 = vector.multi_reduction <minimumf>, %select_n3A_51, %reduce_min3A_52 [1] : vector<256x4096xf32> to vector<256xf32>
    %broadcast_in_dim3A_54 = vector.shape_cast %reduce_min3A_53 : vector<256xf32> to vector<256x1xf32>
    %eq3A_55 = vector.broadcast %broadcast_in_dim3A_54 : vector<256x1xf32> to vector<256x4096xf32>
    %eq3A_56 = arith.cmpf oeq, %select_n3A_51, %eq3A_55 : vector<256x4096xf32>
    %jit3A_57 = arith.constant 4096 : i32
    %broadcast_in_dim3A_58 = vector.broadcast %jit3A_57 : i32 to vector<256x4096xi32>
    %select_n3A_59 = arith.select %eq3A_56, %iota3A, %broadcast_in_dim3A_58 : vector<256x4096xi1>, vector<256x4096xi32>
    %reduce_min3A_60 = arith.constant dense<2147483647> : vector<256xi32>
    %reduce_min3A_61 = vector.multi_reduction <minsi>, %select_n3A_59, %reduce_min3A_60 [1] : vector<256x4096xi32> to vector<256xi32>
    %broadcast_in_dim3A_62 = vector.shape_cast %reduce_min3A_61 : vector<256xi32> to vector<256x1xi32>
    %eq3A_63 = arith.constant 1 : i32
    %eq3A_64 = vector.broadcast %eq3A_63 : i32 to vector<256x16xi32>
    %eq3A_65 = arith.cmpi eq, %iota3A_27, %eq3A_64 : vector<256x16xi32>
    %mul3A_66 = arith.constant 4096 : i32
    %mul3A_67 = arith.muli %arg0, %mul3A_66 : i32
    %add3A_68 = vector.broadcast %mul3A_67 : i32 to vector<256x1xi32>
    %add3A_69 = arith.addi %broadcast_in_dim3A_62, %add3A_68 : vector<256x1xi32>
    %broadcast_in_dim3A_70 = vector.shape_cast %add3A_69 : vector<256x1xi32> to vector<256x1xi32>
    %broadcast_in_dim3A_71 = vector.broadcast %broadcast_in_dim3A_70 : vector<256x1xi32> to vector<256x16xi32>
    %select_n3A_72 = arith.select %eq3A_65, %broadcast_in_dim3A_71, %select_n3A_46 : vector<256x16xi1>, vector<256x16xi32>
    %eq3A_73 = vector.broadcast %broadcast_in_dim3A_62 : vector<256x1xi32> to vector<256x4096xi32>
    %eq3A_74 = arith.cmpi eq, %iota3A, %eq3A_73 : vector<256x4096xi32>
    %jit3A_75 = arith.constant 0x7F800000 : f32
    %broadcast_in_dim3A_76 = vector.broadcast %jit3A_75 : f32 to vector<256x4096xf32>
    %select_n3A_77 = arith.select %eq3A_74, %broadcast_in_dim3A_76, %select_n3A_51 : vector<256x4096xi1>, vector<256x4096xf32>
    %reduce_min3A_78 = arith.constant dense<0x7F800000> : vector<256xf32>
    %reduce_min3A_79 = vector.multi_reduction <minimumf>, %select_n3A_77, %reduce_min3A_78 [1] : vector<256x4096xf32> to vector<256xf32>
    %broadcast_in_dim3A_80 = vector.shape_cast %reduce_min3A_79 : vector<256xf32> to vector<256x1xf32>
    %eq3A_81 = vector.broadcast %broadcast_in_dim3A_80 : vector<256x1xf32> to vector<256x4096xf32>
    %eq3A_82 = arith.cmpf oeq, %select_n3A_77, %eq3A_81 : vector<256x4096xf32>
    %jit3A_83 = arith.constant 4096 : i32
    %broadcast_in_dim3A_84 = vector.broadcast %jit3A_83 : i32 to vector<256x4096xi32>
    %select_n3A_85 = arith.select %eq3A_82, %iota3A, %broadcast_in_dim3A_84 : vector<256x4096xi1>, vector<256x4096xi32>
    %reduce_min3A_86 = arith.constant dense<2147483647> : vector<256xi32>
    %reduce_min3A_87 = vector.multi_reduction <minsi>, %select_n3A_85, %reduce_min3A_86 [1] : vector<256x4096xi32> to vector<256xi32>
    %broadcast_in_dim3A_88 = vector.shape_cast %reduce_min3A_87 : vector<256xi32> to vector<256x1xi32>
    %eq3A_89 = arith.constant 2 : i32
    %eq3A_90 = vector.broadcast %eq3A_89 : i32 to vector<256x16xi32>
    %eq3A_91 = arith.cmpi eq, %iota3A_27, %eq3A_90 : vector<256x16xi32>
    %mul3A_92 = arith.constant 4096 : i32
    %mul3A_93 = arith.muli %arg0, %mul3A_92 : i32
    %add3A_94 = vector.broadcast %mul3A_93 : i32 to vector<256x1xi32>
    %add3A_95 = arith.addi %broadcast_in_dim3A_88, %add3A_94 : vector<256x1xi32>
    %broadcast_in_dim3A_96 = vector.shape_cast %add3A_95 : vector<256x1xi32> to vector<256x1xi32>
    %broadcast_in_dim3A_97 = vector.broadcast %broadcast_in_dim3A_96 : vector<256x1xi32> to vector<256x16xi32>
    %select_n3A_98 = arith.select %eq3A_91, %broadcast_in_dim3A_97, %select_n3A_72 : vector<256x16xi1>, vector<256x16xi32>
    %eq3A_99 = vector.broadcast %broadcast_in_dim3A_88 : vector<256x1xi32> to vector<256x4096xi32>
    %eq3A_100 = arith.cmpi eq, %iota3A, %eq3A_99 : vector<256x4096xi32>
    %jit3A_101 = arith.constant 0x7F800000 : f32
    %broadcast_in_dim3A_102 = vector.broadcast %jit3A_101 : f32 to vector<256x4096xf32>
    %select_n3A_103 = arith.select %eq3A_100, %broadcast_in_dim3A_102, %select_n3A_77 : vector<256x4096xi1>, vector<256x4096xf32>
    %reduce_min3A_104 = arith.constant dense<0x7F800000> : vector<256xf32>
    %reduce_min3A_105 = vector.multi_reduction <minimumf>, %select_n3A_103, %reduce_min3A_104 [1] : vector<256x4096xf32> to vector<256xf32>
    %broadcast_in_dim3A_106 = vector.shape_cast %reduce_min3A_105 : vector<256xf32> to vector<256x1xf32>
    %eq3A_107 = vector.broadcast %broadcast_in_dim3A_106 : vector<256x1xf32> to vector<256x4096xf32>
    %eq3A_108 = arith.cmpf oeq, %select_n3A_103, %eq3A_107 : vector<256x4096xf32>
    %jit3A_109 = arith.constant 4096 : i32
    %broadcast_in_dim3A_110 = vector.broadcast %jit3A_109 : i32 to vector<256x4096xi32>
    %select_n3A_111 = arith.select %eq3A_108, %iota3A, %broadcast_in_dim3A_110 : vector<256x4096xi1>, vector<256x4096xi32>
    %reduce_min3A_112 = arith.constant dense<2147483647> : vector<256xi32>
    %reduce_min3A_113 = vector.multi_reduction <minsi>, %select_n3A_111, %reduce_min3A_112 [1] : vector<256x4096xi32> to vector<256xi32>
    %broadcast_in_dim3A_114 = vector.shape_cast %reduce_min3A_113 : vector<256xi32> to vector<256x1xi32>
    %eq3A_115 = arith.constant 3 : i32
    %eq3A_116 = vector.broadcast %eq3A_115 : i32 to vector<256x16xi32>
    %eq3A_117 = arith.cmpi eq, %iota3A_27, %eq3A_116 : vector<256x16xi32>
    %mul3A_118 = arith.constant 4096 : i32
    %mul3A_119 = arith.muli %arg0, %mul3A_118 : i32
    %add3A_120 = vector.broadcast %mul3A_119 : i32 to vector<256x1xi32>
    %add3A_121 = arith.addi %broadcast_in_dim3A_114, %add3A_120 : vector<256x1xi32>
    %broadcast_in_dim3A_122 = vector.shape_cast %add3A_121 : vector<256x1xi32> to vector<256x1xi32>
    %broadcast_in_dim3A_123 = vector.broadcast %broadcast_in_dim3A_122 : vector<256x1xi32> to vector<256x16xi32>
    %select_n3A_124 = arith.select %eq3A_117, %broadcast_in_dim3A_123, %select_n3A_98 : vector<256x16xi1>, vector<256x16xi32>
    %eq3A_125 = vector.broadcast %broadcast_in_dim3A_114 : vector<256x1xi32> to vector<256x4096xi32>
    %eq3A_126 = arith.cmpi eq, %iota3A, %eq3A_125 : vector<256x4096xi32>
    %jit3A_127 = arith.constant 0x7F800000 : f32
    %broadcast_in_dim3A_128 = vector.broadcast %jit3A_127 : f32 to vector<256x4096xf32>
    %select_n3A_129 = arith.select %eq3A_126, %broadcast_in_dim3A_128, %select_n3A_103 : vector<256x4096xi1>, vector<256x4096xf32>
    %reduce_min3A_130 = arith.constant dense<0x7F800000> : vector<256xf32>
    %reduce_min3A_131 = vector.multi_reduction <minimumf>, %select_n3A_129, %reduce_min3A_130 [1] : vector<256x4096xf32> to vector<256xf32>
    %broadcast_in_dim3A_132 = vector.shape_cast %reduce_min3A_131 : vector<256xf32> to vector<256x1xf32>
    %eq3A_133 = vector.broadcast %broadcast_in_dim3A_132 : vector<256x1xf32> to vector<256x4096xf32>
    %eq3A_134 = arith.cmpf oeq, %select_n3A_129, %eq3A_133 : vector<256x4096xf32>
    %jit3A_135 = arith.constant 4096 : i32
    %broadcast_in_dim3A_136 = vector.broadcast %jit3A_135 : i32 to vector<256x4096xi32>
    %select_n3A_137 = arith.select %eq3A_134, %iota3A, %broadcast_in_dim3A_136 : vector<256x4096xi1>, vector<256x4096xi32>
    %reduce_min3A_138 = arith.constant dense<2147483647> : vector<256xi32>
    %reduce_min3A_139 = vector.multi_reduction <minsi>, %select_n3A_137, %reduce_min3A_138 [1] : vector<256x4096xi32> to vector<256xi32>
    %broadcast_in_dim3A_140 = vector.shape_cast %reduce_min3A_139 : vector<256xi32> to vector<256x1xi32>
    %eq3A_141 = arith.constant 4 : i32
    %eq3A_142 = vector.broadcast %eq3A_141 : i32 to vector<256x16xi32>
    %eq3A_143 = arith.cmpi eq, %iota3A_27, %eq3A_142 : vector<256x16xi32>
    %mul3A_144 = arith.constant 4096 : i32
    %mul3A_145 = arith.muli %arg0, %mul3A_144 : i32
    %add3A_146 = vector.broadcast %mul3A_145 : i32 to vector<256x1xi32>
    %add3A_147 = arith.addi %broadcast_in_dim3A_140, %add3A_146 : vector<256x1xi32>
    %broadcast_in_dim3A_148 = vector.shape_cast %add3A_147 : vector<256x1xi32> to vector<256x1xi32>
    %broadcast_in_dim3A_149 = vector.broadcast %broadcast_in_dim3A_148 : vector<256x1xi32> to vector<256x16xi32>
    %select_n3A_150 = arith.select %eq3A_143, %broadcast_in_dim3A_149, %select_n3A_124 : vector<256x16xi1>, vector<256x16xi32>
    %eq3A_151 = vector.broadcast %broadcast_in_dim3A_140 : vector<256x1xi32> to vector<256x4096xi32>
    %eq3A_152 = arith.cmpi eq, %iota3A, %eq3A_151 : vector<256x4096xi32>
    %jit3A_153 = arith.constant 0x7F800000 : f32
    %broadcast_in_dim3A_154 = vector.broadcast %jit3A_153 : f32 to vector<256x4096xf32>
    %select_n3A_155 = arith.select %eq3A_152, %broadcast_in_dim3A_154, %select_n3A_129 : vector<256x4096xi1>, vector<256x4096xf32>
    %reduce_min3A_156 = arith.constant dense<0x7F800000> : vector<256xf32>
    %reduce_min3A_157 = vector.multi_reduction <minimumf>, %select_n3A_155, %reduce_min3A_156 [1] : vector<256x4096xf32> to vector<256xf32>
    %broadcast_in_dim3A_158 = vector.shape_cast %reduce_min3A_157 : vector<256xf32> to vector<256x1xf32>
    %eq3A_159 = vector.broadcast %broadcast_in_dim3A_158 : vector<256x1xf32> to vector<256x4096xf32>
    %eq3A_160 = arith.cmpf oeq, %select_n3A_155, %eq3A_159 : vector<256x4096xf32>
    %jit3A_161 = arith.constant 4096 : i32
    %broadcast_in_dim3A_162 = vector.broadcast %jit3A_161 : i32 to vector<256x4096xi32>
    %select_n3A_163 = arith.select %eq3A_160, %iota3A, %broadcast_in_dim3A_162 : vector<256x4096xi1>, vector<256x4096xi32>
    %reduce_min3A_164 = arith.constant dense<2147483647> : vector<256xi32>
    %reduce_min3A_165 = vector.multi_reduction <minsi>, %select_n3A_163, %reduce_min3A_164 [1] : vector<256x4096xi32> to vector<256xi32>
    %broadcast_in_dim3A_166 = vector.shape_cast %reduce_min3A_165 : vector<256xi32> to vector<256x1xi32>
    %eq3A_167 = arith.constant 5 : i32
    %eq3A_168 = vector.broadcast %eq3A_167 : i32 to vector<256x16xi32>
    %eq3A_169 = arith.cmpi eq, %iota3A_27, %eq3A_168 : vector<256x16xi32>
    %mul3A_170 = arith.constant 4096 : i32
    %mul3A_171 = arith.muli %arg0, %mul3A_170 : i32
    %add3A_172 = vector.broadcast %mul3A_171 : i32 to vector<256x1xi32>
    %add3A_173 = arith.addi %broadcast_in_dim3A_166, %add3A_172 : vector<256x1xi32>
    %broadcast_in_dim3A_174 = vector.shape_cast %add3A_173 : vector<256x1xi32> to vector<256x1xi32>
    %broadcast_in_dim3A_175 = vector.broadcast %broadcast_in_dim3A_174 : vector<256x1xi32> to vector<256x16xi32>
    %select_n3A_176 = arith.select %eq3A_169, %broadcast_in_dim3A_175, %select_n3A_150 : vector<256x16xi1>, vector<256x16xi32>
    %eq3A_177 = vector.broadcast %broadcast_in_dim3A_166 : vector<256x1xi32> to vector<256x4096xi32>
    %eq3A_178 = arith.cmpi eq, %iota3A, %eq3A_177 : vector<256x4096xi32>
    %jit3A_179 = arith.constant 0x7F800000 : f32
    %broadcast_in_dim3A_180 = vector.broadcast %jit3A_179 : f32 to vector<256x4096xf32>
    %select_n3A_181 = arith.select %eq3A_178, %broadcast_in_dim3A_180, %select_n3A_155 : vector<256x4096xi1>, vector<256x4096xf32>
    %reduce_min3A_182 = arith.constant dense<0x7F800000> : vector<256xf32>
    %reduce_min3A_183 = vector.multi_reduction <minimumf>, %select_n3A_181, %reduce_min3A_182 [1] : vector<256x4096xf32> to vector<256xf32>
    %broadcast_in_dim3A_184 = vector.shape_cast %reduce_min3A_183 : vector<256xf32> to vector<256x1xf32>
    %eq3A_185 = vector.broadcast %broadcast_in_dim3A_184 : vector<256x1xf32> to vector<256x4096xf32>
    %eq3A_186 = arith.cmpf oeq, %select_n3A_181, %eq3A_185 : vector<256x4096xf32>
    %jit3A_187 = arith.constant 4096 : i32
    %broadcast_in_dim3A_188 = vector.broadcast %jit3A_187 : i32 to vector<256x4096xi32>
    %select_n3A_189 = arith.select %eq3A_186, %iota3A, %broadcast_in_dim3A_188 : vector<256x4096xi1>, vector<256x4096xi32>
    %reduce_min3A_190 = arith.constant dense<2147483647> : vector<256xi32>
    %reduce_min3A_191 = vector.multi_reduction <minsi>, %select_n3A_189, %reduce_min3A_190 [1] : vector<256x4096xi32> to vector<256xi32>
    %broadcast_in_dim3A_192 = vector.shape_cast %reduce_min3A_191 : vector<256xi32> to vector<256x1xi32>
    %eq3A_193 = arith.constant 6 : i32
    %eq3A_194 = vector.broadcast %eq3A_193 : i32 to vector<256x16xi32>
    %eq3A_195 = arith.cmpi eq, %iota3A_27, %eq3A_194 : vector<256x16xi32>
    %mul3A_196 = arith.constant 4096 : i32
    %mul3A_197 = arith.muli %arg0, %mul3A_196 : i32
    %add3A_198 = vector.broadcast %mul3A_197 : i32 to vector<256x1xi32>
    %add3A_199 = arith.addi %broadcast_in_dim3A_192, %add3A_198 : vector<256x1xi32>
    %broadcast_in_dim3A_200 = vector.shape_cast %add3A_199 : vector<256x1xi32> to vector<256x1xi32>
    %broadcast_in_dim3A_201 = vector.broadcast %broadcast_in_dim3A_200 : vector<256x1xi32> to vector<256x16xi32>
    %select_n3A_202 = arith.select %eq3A_195, %broadcast_in_dim3A_201, %select_n3A_176 : vector<256x16xi1>, vector<256x16xi32>
    %eq3A_203 = vector.broadcast %broadcast_in_dim3A_192 : vector<256x1xi32> to vector<256x4096xi32>
    %eq3A_204 = arith.cmpi eq, %iota3A, %eq3A_203 : vector<256x4096xi32>
    %jit3A_205 = arith.constant 0x7F800000 : f32
    %broadcast_in_dim3A_206 = vector.broadcast %jit3A_205 : f32 to vector<256x4096xf32>
    %select_n3A_207 = arith.select %eq3A_204, %broadcast_in_dim3A_206, %select_n3A_181 : vector<256x4096xi1>, vector<256x4096xf32>
    %reduce_min3A_208 = arith.constant dense<0x7F800000> : vector<256xf32>
    %reduce_min3A_209 = vector.multi_reduction <minimumf>, %select_n3A_207, %reduce_min3A_208 [1] : vector<256x4096xf32> to vector<256xf32>
    %broadcast_in_dim3A_210 = vector.shape_cast %reduce_min3A_209 : vector<256xf32> to vector<256x1xf32>
    %eq3A_211 = vector.broadcast %broadcast_in_dim3A_210 : vector<256x1xf32> to vector<256x4096xf32>
    %eq3A_212 = arith.cmpf oeq, %select_n3A_207, %eq3A_211 : vector<256x4096xf32>
    %jit3A_213 = arith.constant 4096 : i32
    %broadcast_in_dim3A_214 = vector.broadcast %jit3A_213 : i32 to vector<256x4096xi32>
    %select_n3A_215 = arith.select %eq3A_212, %iota3A, %broadcast_in_dim3A_214 : vector<256x4096xi1>, vector<256x4096xi32>
    %reduce_min3A_216 = arith.constant dense<2147483647> : vector<256xi32>
    %reduce_min3A_217 = vector.multi_reduction <minsi>, %select_n3A_215, %reduce_min3A_216 [1] : vector<256x4096xi32> to vector<256xi32>
    %broadcast_in_dim3A_218 = vector.shape_cast %reduce_min3A_217 : vector<256xi32> to vector<256x1xi32>
    %eq3A_219 = arith.constant 7 : i32
    %eq3A_220 = vector.broadcast %eq3A_219 : i32 to vector<256x16xi32>
    %eq3A_221 = arith.cmpi eq, %iota3A_27, %eq3A_220 : vector<256x16xi32>
    %mul3A_222 = arith.constant 4096 : i32
    %mul3A_223 = arith.muli %arg0, %mul3A_222 : i32
    %add3A_224 = vector.broadcast %mul3A_223 : i32 to vector<256x1xi32>
    %add3A_225 = arith.addi %broadcast_in_dim3A_218, %add3A_224 : vector<256x1xi32>
    %broadcast_in_dim3A_226 = vector.shape_cast %add3A_225 : vector<256x1xi32> to vector<256x1xi32>
    %broadcast_in_dim3A_227 = vector.broadcast %broadcast_in_dim3A_226 : vector<256x1xi32> to vector<256x16xi32>
    %select_n3A_228 = arith.select %eq3A_221, %broadcast_in_dim3A_227, %select_n3A_202 : vector<256x16xi1>, vector<256x16xi32>
    %eq3A_229 = vector.broadcast %broadcast_in_dim3A_218 : vector<256x1xi32> to vector<256x4096xi32>
    %eq3A_230 = arith.cmpi eq, %iota3A, %eq3A_229 : vector<256x4096xi32>
    %jit3A_231 = arith.constant 0x7F800000 : f32
    %broadcast_in_dim3A_232 = vector.broadcast %jit3A_231 : f32 to vector<256x4096xf32>
    %select_n3A_233 = arith.select %eq3A_230, %broadcast_in_dim3A_232, %select_n3A_207 : vector<256x4096xi1>, vector<256x4096xf32>
    %reduce_min3A_234 = arith.constant dense<0x7F800000> : vector<256xf32>
    %reduce_min3A_235 = vector.multi_reduction <minimumf>, %select_n3A_233, %reduce_min3A_234 [1] : vector<256x4096xf32> to vector<256xf32>
    %broadcast_in_dim3A_236 = vector.shape_cast %reduce_min3A_235 : vector<256xf32> to vector<256x1xf32>
    %eq3A_237 = vector.broadcast %broadcast_in_dim3A_236 : vector<256x1xf32> to vector<256x4096xf32>
    %eq3A_238 = arith.cmpf oeq, %select_n3A_233, %eq3A_237 : vector<256x4096xf32>
    %jit3A_239 = arith.constant 4096 : i32
    %broadcast_in_dim3A_240 = vector.broadcast %jit3A_239 : i32 to vector<256x4096xi32>
    %select_n3A_241 = arith.select %eq3A_238, %iota3A, %broadcast_in_dim3A_240 : vector<256x4096xi1>, vector<256x4096xi32>
    %reduce_min3A_242 = arith.constant dense<2147483647> : vector<256xi32>
    %reduce_min3A_243 = vector.multi_reduction <minsi>, %select_n3A_241, %reduce_min3A_242 [1] : vector<256x4096xi32> to vector<256xi32>
    %broadcast_in_dim3A_244 = vector.shape_cast %reduce_min3A_243 : vector<256xi32> to vector<256x1xi32>
    %eq3A_245 = arith.constant 8 : i32
    %eq3A_246 = vector.broadcast %eq3A_245 : i32 to vector<256x16xi32>
    %eq3A_247 = arith.cmpi eq, %iota3A_27, %eq3A_246 : vector<256x16xi32>
    %mul3A_248 = arith.constant 4096 : i32
    %mul3A_249 = arith.muli %arg0, %mul3A_248 : i32
    %add3A_250 = vector.broadcast %mul3A_249 : i32 to vector<256x1xi32>
    %add3A_251 = arith.addi %broadcast_in_dim3A_244, %add3A_250 : vector<256x1xi32>
    %broadcast_in_dim3A_252 = vector.shape_cast %add3A_251 : vector<256x1xi32> to vector<256x1xi32>
    %broadcast_in_dim3A_253 = vector.broadcast %broadcast_in_dim3A_252 : vector<256x1xi32> to vector<256x16xi32>
    %select_n3A_254 = arith.select %eq3A_247, %broadcast_in_dim3A_253, %select_n3A_228 : vector<256x16xi1>, vector<256x16xi32>
    %eq3A_255 = vector.broadcast %broadcast_in_dim3A_244 : vector<256x1xi32> to vector<256x4096xi32>
    %eq3A_256 = arith.cmpi eq, %iota3A, %eq3A_255 : vector<256x4096xi32>
    %jit3A_257 = arith.constant 0x7F800000 : f32
    %broadcast_in_dim3A_258 = vector.broadcast %jit3A_257 : f32 to vector<256x4096xf32>
    %select_n3A_259 = arith.select %eq3A_256, %broadcast_in_dim3A_258, %select_n3A_233 : vector<256x4096xi1>, vector<256x4096xf32>
    %reduce_min3A_260 = arith.constant dense<0x7F800000> : vector<256xf32>
    %reduce_min3A_261 = vector.multi_reduction <minimumf>, %select_n3A_259, %reduce_min3A_260 [1] : vector<256x4096xf32> to vector<256xf32>
    %broadcast_in_dim3A_262 = vector.shape_cast %reduce_min3A_261 : vector<256xf32> to vector<256x1xf32>
    %eq3A_263 = vector.broadcast %broadcast_in_dim3A_262 : vector<256x1xf32> to vector<256x4096xf32>
    %eq3A_264 = arith.cmpf oeq, %select_n3A_259, %eq3A_263 : vector<256x4096xf32>
    %jit3A_265 = arith.constant 4096 : i32
    %broadcast_in_dim3A_266 = vector.broadcast %jit3A_265 : i32 to vector<256x4096xi32>
    %select_n3A_267 = arith.select %eq3A_264, %iota3A, %broadcast_in_dim3A_266 : vector<256x4096xi1>, vector<256x4096xi32>
    %reduce_min3A_268 = arith.constant dense<2147483647> : vector<256xi32>
    %reduce_min3A_269 = vector.multi_reduction <minsi>, %select_n3A_267, %reduce_min3A_268 [1] : vector<256x4096xi32> to vector<256xi32>
    %broadcast_in_dim3A_270 = vector.shape_cast %reduce_min3A_269 : vector<256xi32> to vector<256x1xi32>
    %eq3A_271 = arith.constant 9 : i32
    %eq3A_272 = vector.broadcast %eq3A_271 : i32 to vector<256x16xi32>
    %eq3A_273 = arith.cmpi eq, %iota3A_27, %eq3A_272 : vector<256x16xi32>
    %mul3A_274 = arith.constant 4096 : i32
    %mul3A_275 = arith.muli %arg0, %mul3A_274 : i32
    %add3A_276 = vector.broadcast %mul3A_275 : i32 to vector<256x1xi32>
    %add3A_277 = arith.addi %broadcast_in_dim3A_270, %add3A_276 : vector<256x1xi32>
    %broadcast_in_dim3A_278 = vector.shape_cast %add3A_277 : vector<256x1xi32> to vector<256x1xi32>
    %broadcast_in_dim3A_279 = vector.broadcast %broadcast_in_dim3A_278 : vector<256x1xi32> to vector<256x16xi32>
    %select_n3A_280 = arith.select %eq3A_273, %broadcast_in_dim3A_279, %select_n3A_254 : vector<256x16xi1>, vector<256x16xi32>
    %eq3A_281 = vector.broadcast %broadcast_in_dim3A_270 : vector<256x1xi32> to vector<256x4096xi32>
    %eq3A_282 = arith.cmpi eq, %iota3A, %eq3A_281 : vector<256x4096xi32>
    %jit3A_283 = arith.constant 0x7F800000 : f32
    %broadcast_in_dim3A_284 = vector.broadcast %jit3A_283 : f32 to vector<256x4096xf32>
    %select_n3A_285 = arith.select %eq3A_282, %broadcast_in_dim3A_284, %select_n3A_259 : vector<256x4096xi1>, vector<256x4096xf32>
    %reduce_min3A_286 = arith.constant dense<0x7F800000> : vector<256xf32>
    %reduce_min3A_287 = vector.multi_reduction <minimumf>, %select_n3A_285, %reduce_min3A_286 [1] : vector<256x4096xf32> to vector<256xf32>
    %broadcast_in_dim3A_288 = vector.shape_cast %reduce_min3A_287 : vector<256xf32> to vector<256x1xf32>
    %eq3A_289 = vector.broadcast %broadcast_in_dim3A_288 : vector<256x1xf32> to vector<256x4096xf32>
    %eq3A_290 = arith.cmpf oeq, %select_n3A_285, %eq3A_289 : vector<256x4096xf32>
    %jit3A_291 = arith.constant 4096 : i32
    %broadcast_in_dim3A_292 = vector.broadcast %jit3A_291 : i32 to vector<256x4096xi32>
    %select_n3A_293 = arith.select %eq3A_290, %iota3A, %broadcast_in_dim3A_292 : vector<256x4096xi1>, vector<256x4096xi32>
    %reduce_min3A_294 = arith.constant dense<2147483647> : vector<256xi32>
    %reduce_min3A_295 = vector.multi_reduction <minsi>, %select_n3A_293, %reduce_min3A_294 [1] : vector<256x4096xi32> to vector<256xi32>
    %broadcast_in_dim3A_296 = vector.shape_cast %reduce_min3A_295 : vector<256xi32> to vector<256x1xi32>
    %eq3A_297 = arith.constant 10 : i32
    %eq3A_298 = vector.broadcast %eq3A_297 : i32 to vector<256x16xi32>
    %eq3A_299 = arith.cmpi eq, %iota3A_27, %eq3A_298 : vector<256x16xi32>
    %mul3A_300 = arith.constant 4096 : i32
    %mul3A_301 = arith.muli %arg0, %mul3A_300 : i32
    %add3A_302 = vector.broadcast %mul3A_301 : i32 to vector<256x1xi32>
    %add3A_303 = arith.addi %broadcast_in_dim3A_296, %add3A_302 : vector<256x1xi32>
    %broadcast_in_dim3A_304 = vector.shape_cast %add3A_303 : vector<256x1xi32> to vector<256x1xi32>
    %broadcast_in_dim3A_305 = vector.broadcast %broadcast_in_dim3A_304 : vector<256x1xi32> to vector<256x16xi32>
    %select_n3A_306 = arith.select %eq3A_299, %broadcast_in_dim3A_305, %select_n3A_280 : vector<256x16xi1>, vector<256x16xi32>
    %eq3A_307 = vector.broadcast %broadcast_in_dim3A_296 : vector<256x1xi32> to vector<256x4096xi32>
    %eq3A_308 = arith.cmpi eq, %iota3A, %eq3A_307 : vector<256x4096xi32>
    %jit3A_309 = arith.constant 0x7F800000 : f32
    %broadcast_in_dim3A_310 = vector.broadcast %jit3A_309 : f32 to vector<256x4096xf32>
    %select_n3A_311 = arith.select %eq3A_308, %broadcast_in_dim3A_310, %select_n3A_285 : vector<256x4096xi1>, vector<256x4096xf32>
    %reduce_min3A_312 = arith.constant dense<0x7F800000> : vector<256xf32>
    %reduce_min3A_313 = vector.multi_reduction <minimumf>, %select_n3A_311, %reduce_min3A_312 [1] : vector<256x4096xf32> to vector<256xf32>
    %broadcast_in_dim3A_314 = vector.shape_cast %reduce_min3A_313 : vector<256xf32> to vector<256x1xf32>
    %eq3A_315 = vector.broadcast %broadcast_in_dim3A_314 : vector<256x1xf32> to vector<256x4096xf32>
    %eq3A_316 = arith.cmpf oeq, %select_n3A_311, %eq3A_315 : vector<256x4096xf32>
    %jit3A_317 = arith.constant 4096 : i32
    %broadcast_in_dim3A_318 = vector.broadcast %jit3A_317 : i32 to vector<256x4096xi32>
    %select_n3A_319 = arith.select %eq3A_316, %iota3A, %broadcast_in_dim3A_318 : vector<256x4096xi1>, vector<256x4096xi32>
    %reduce_min3A_320 = arith.constant dense<2147483647> : vector<256xi32>
    %reduce_min3A_321 = vector.multi_reduction <minsi>, %select_n3A_319, %reduce_min3A_320 [1] : vector<256x4096xi32> to vector<256xi32>
    %broadcast_in_dim3A_322 = vector.shape_cast %reduce_min3A_321 : vector<256xi32> to vector<256x1xi32>
    %eq3A_323 = arith.constant 11 : i32
    %eq3A_324 = vector.broadcast %eq3A_323 : i32 to vector<256x16xi32>
    %eq3A_325 = arith.cmpi eq, %iota3A_27, %eq3A_324 : vector<256x16xi32>
    %mul3A_326 = arith.constant 4096 : i32
    %mul3A_327 = arith.muli %arg0, %mul3A_326 : i32
    %add3A_328 = vector.broadcast %mul3A_327 : i32 to vector<256x1xi32>
    %add3A_329 = arith.addi %broadcast_in_dim3A_322, %add3A_328 : vector<256x1xi32>
    %broadcast_in_dim3A_330 = vector.shape_cast %add3A_329 : vector<256x1xi32> to vector<256x1xi32>
    %broadcast_in_dim3A_331 = vector.broadcast %broadcast_in_dim3A_330 : vector<256x1xi32> to vector<256x16xi32>
    %select_n3A_332 = arith.select %eq3A_325, %broadcast_in_dim3A_331, %select_n3A_306 : vector<256x16xi1>, vector<256x16xi32>
    %eq3A_333 = vector.broadcast %broadcast_in_dim3A_322 : vector<256x1xi32> to vector<256x4096xi32>
    %eq3A_334 = arith.cmpi eq, %iota3A, %eq3A_333 : vector<256x4096xi32>
    %jit3A_335 = arith.constant 0x7F800000 : f32
    %broadcast_in_dim3A_336 = vector.broadcast %jit3A_335 : f32 to vector<256x4096xf32>
    %select_n3A_337 = arith.select %eq3A_334, %broadcast_in_dim3A_336, %select_n3A_311 : vector<256x4096xi1>, vector<256x4096xf32>
    %reduce_min3A_338 = arith.constant dense<0x7F800000> : vector<256xf32>
    %reduce_min3A_339 = vector.multi_reduction <minimumf>, %select_n3A_337, %reduce_min3A_338 [1] : vector<256x4096xf32> to vector<256xf32>
    %broadcast_in_dim3A_340 = vector.shape_cast %reduce_min3A_339 : vector<256xf32> to vector<256x1xf32>
    %eq3A_341 = vector.broadcast %broadcast_in_dim3A_340 : vector<256x1xf32> to vector<256x4096xf32>
    %eq3A_342 = arith.cmpf oeq, %select_n3A_337, %eq3A_341 : vector<256x4096xf32>
    %jit3A_343 = arith.constant 4096 : i32
    %broadcast_in_dim3A_344 = vector.broadcast %jit3A_343 : i32 to vector<256x4096xi32>
    %select_n3A_345 = arith.select %eq3A_342, %iota3A, %broadcast_in_dim3A_344 : vector<256x4096xi1>, vector<256x4096xi32>
    %reduce_min3A_346 = arith.constant dense<2147483647> : vector<256xi32>
    %reduce_min3A_347 = vector.multi_reduction <minsi>, %select_n3A_345, %reduce_min3A_346 [1] : vector<256x4096xi32> to vector<256xi32>
    %broadcast_in_dim3A_348 = vector.shape_cast %reduce_min3A_347 : vector<256xi32> to vector<256x1xi32>
    %eq3A_349 = arith.constant 12 : i32
    %eq3A_350 = vector.broadcast %eq3A_349 : i32 to vector<256x16xi32>
    %eq3A_351 = arith.cmpi eq, %iota3A_27, %eq3A_350 : vector<256x16xi32>
    %mul3A_352 = arith.constant 4096 : i32
    %mul3A_353 = arith.muli %arg0, %mul3A_352 : i32
    %add3A_354 = vector.broadcast %mul3A_353 : i32 to vector<256x1xi32>
    %add3A_355 = arith.addi %broadcast_in_dim3A_348, %add3A_354 : vector<256x1xi32>
    %broadcast_in_dim3A_356 = vector.shape_cast %add3A_355 : vector<256x1xi32> to vector<256x1xi32>
    %broadcast_in_dim3A_357 = vector.broadcast %broadcast_in_dim3A_356 : vector<256x1xi32> to vector<256x16xi32>
    %select_n3A_358 = arith.select %eq3A_351, %broadcast_in_dim3A_357, %select_n3A_332 : vector<256x16xi1>, vector<256x16xi32>
    %eq3A_359 = vector.broadcast %broadcast_in_dim3A_348 : vector<256x1xi32> to vector<256x4096xi32>
    %eq3A_360 = arith.cmpi eq, %iota3A, %eq3A_359 : vector<256x4096xi32>
    %jit3A_361 = arith.constant 0x7F800000 : f32
    %broadcast_in_dim3A_362 = vector.broadcast %jit3A_361 : f32 to vector<256x4096xf32>
    %select_n3A_363 = arith.select %eq3A_360, %broadcast_in_dim3A_362, %select_n3A_337 : vector<256x4096xi1>, vector<256x4096xf32>
    %reduce_min3A_364 = arith.constant dense<0x7F800000> : vector<256xf32>
    %reduce_min3A_365 = vector.multi_reduction <minimumf>, %select_n3A_363, %reduce_min3A_364 [1] : vector<256x4096xf32> to vector<256xf32>
    %broadcast_in_dim3A_366 = vector.shape_cast %reduce_min3A_365 : vector<256xf32> to vector<256x1xf32>
    %eq3A_367 = vector.broadcast %broadcast_in_dim3A_366 : vector<256x1xf32> to vector<256x4096xf32>
    %eq3A_368 = arith.cmpf oeq, %select_n3A_363, %eq3A_367 : vector<256x4096xf32>
    %jit3A_369 = arith.constant 4096 : i32
    %broadcast_in_dim3A_370 = vector.broadcast %jit3A_369 : i32 to vector<256x4096xi32>
    %select_n3A_371 = arith.select %eq3A_368, %iota3A, %broadcast_in_dim3A_370 : vector<256x4096xi1>, vector<256x4096xi32>
    %reduce_min3A_372 = arith.constant dense<2147483647> : vector<256xi32>
    %reduce_min3A_373 = vector.multi_reduction <minsi>, %select_n3A_371, %reduce_min3A_372 [1] : vector<256x4096xi32> to vector<256xi32>
    %broadcast_in_dim3A_374 = vector.shape_cast %reduce_min3A_373 : vector<256xi32> to vector<256x1xi32>
    %eq3A_375 = arith.constant 13 : i32
    %eq3A_376 = vector.broadcast %eq3A_375 : i32 to vector<256x16xi32>
    %eq3A_377 = arith.cmpi eq, %iota3A_27, %eq3A_376 : vector<256x16xi32>
    %mul3A_378 = arith.constant 4096 : i32
    %mul3A_379 = arith.muli %arg0, %mul3A_378 : i32
    %add3A_380 = vector.broadcast %mul3A_379 : i32 to vector<256x1xi32>
    %add3A_381 = arith.addi %broadcast_in_dim3A_374, %add3A_380 : vector<256x1xi32>
    %broadcast_in_dim3A_382 = vector.shape_cast %add3A_381 : vector<256x1xi32> to vector<256x1xi32>
    %broadcast_in_dim3A_383 = vector.broadcast %broadcast_in_dim3A_382 : vector<256x1xi32> to vector<256x16xi32>
    %select_n3A_384 = arith.select %eq3A_377, %broadcast_in_dim3A_383, %select_n3A_358 : vector<256x16xi1>, vector<256x16xi32>
    %eq3A_385 = vector.broadcast %broadcast_in_dim3A_374 : vector<256x1xi32> to vector<256x4096xi32>
    %eq3A_386 = arith.cmpi eq, %iota3A, %eq3A_385 : vector<256x4096xi32>
    %jit3A_387 = arith.constant 0x7F800000 : f32
    %broadcast_in_dim3A_388 = vector.broadcast %jit3A_387 : f32 to vector<256x4096xf32>
    %select_n3A_389 = arith.select %eq3A_386, %broadcast_in_dim3A_388, %select_n3A_363 : vector<256x4096xi1>, vector<256x4096xf32>
    %reduce_min3A_390 = arith.constant dense<0x7F800000> : vector<256xf32>
    %reduce_min3A_391 = vector.multi_reduction <minimumf>, %select_n3A_389, %reduce_min3A_390 [1] : vector<256x4096xf32> to vector<256xf32>
    %broadcast_in_dim3A_392 = vector.shape_cast %reduce_min3A_391 : vector<256xf32> to vector<256x1xf32>
    %eq3A_393 = vector.broadcast %broadcast_in_dim3A_392 : vector<256x1xf32> to vector<256x4096xf32>
    %eq3A_394 = arith.cmpf oeq, %select_n3A_389, %eq3A_393 : vector<256x4096xf32>
    %jit3A_395 = arith.constant 4096 : i32
    %broadcast_in_dim3A_396 = vector.broadcast %jit3A_395 : i32 to vector<256x4096xi32>
    %select_n3A_397 = arith.select %eq3A_394, %iota3A, %broadcast_in_dim3A_396 : vector<256x4096xi1>, vector<256x4096xi32>
    %reduce_min3A_398 = arith.constant dense<2147483647> : vector<256xi32>
    %reduce_min3A_399 = vector.multi_reduction <minsi>, %select_n3A_397, %reduce_min3A_398 [1] : vector<256x4096xi32> to vector<256xi32>
    %broadcast_in_dim3A_400 = vector.shape_cast %reduce_min3A_399 : vector<256xi32> to vector<256x1xi32>
    %eq3A_401 = arith.constant 14 : i32
    %eq3A_402 = vector.broadcast %eq3A_401 : i32 to vector<256x16xi32>
    %eq3A_403 = arith.cmpi eq, %iota3A_27, %eq3A_402 : vector<256x16xi32>
    %mul3A_404 = arith.constant 4096 : i32
    %mul3A_405 = arith.muli %arg0, %mul3A_404 : i32
    %add3A_406 = vector.broadcast %mul3A_405 : i32 to vector<256x1xi32>
    %add3A_407 = arith.addi %broadcast_in_dim3A_400, %add3A_406 : vector<256x1xi32>
    %broadcast_in_dim3A_408 = vector.shape_cast %add3A_407 : vector<256x1xi32> to vector<256x1xi32>
    %broadcast_in_dim3A_409 = vector.broadcast %broadcast_in_dim3A_408 : vector<256x1xi32> to vector<256x16xi32>
    %select_n3A_410 = arith.select %eq3A_403, %broadcast_in_dim3A_409, %select_n3A_384 : vector<256x16xi1>, vector<256x16xi32>
    %eq3A_411 = vector.broadcast %broadcast_in_dim3A_400 : vector<256x1xi32> to vector<256x4096xi32>
    %eq3A_412 = arith.cmpi eq, %iota3A, %eq3A_411 : vector<256x4096xi32>
    %jit3A_413 = arith.constant 0x7F800000 : f32
    %broadcast_in_dim3A_414 = vector.broadcast %jit3A_413 : f32 to vector<256x4096xf32>
    %select_n3A_415 = arith.select %eq3A_412, %broadcast_in_dim3A_414, %select_n3A_389 : vector<256x4096xi1>, vector<256x4096xf32>
    %reduce_min3A_416 = arith.constant dense<0x7F800000> : vector<256xf32>
    %reduce_min3A_417 = vector.multi_reduction <minimumf>, %select_n3A_415, %reduce_min3A_416 [1] : vector<256x4096xf32> to vector<256xf32>
    %broadcast_in_dim3A_418 = vector.shape_cast %reduce_min3A_417 : vector<256xf32> to vector<256x1xf32>
    %eq3A_419 = vector.broadcast %broadcast_in_dim3A_418 : vector<256x1xf32> to vector<256x4096xf32>
    %eq3A_420 = arith.cmpf oeq, %select_n3A_415, %eq3A_419 : vector<256x4096xf32>
    %jit3A_421 = arith.constant 4096 : i32
    %broadcast_in_dim3A_422 = vector.broadcast %jit3A_421 : i32 to vector<256x4096xi32>
    %select_n3A_423 = arith.select %eq3A_420, %iota3A, %broadcast_in_dim3A_422 : vector<256x4096xi1>, vector<256x4096xi32>
    %reduce_min3A_424 = arith.constant dense<2147483647> : vector<256xi32>
    %reduce_min3A_425 = vector.multi_reduction <minsi>, %select_n3A_423, %reduce_min3A_424 [1] : vector<256x4096xi32> to vector<256xi32>
    %broadcast_in_dim3A_426 = vector.shape_cast %reduce_min3A_425 : vector<256xi32> to vector<256x1xi32>
    %eq3A_427 = arith.constant 15 : i32
    %eq3A_428 = vector.broadcast %eq3A_427 : i32 to vector<256x16xi32>
    %eq3A_429 = arith.cmpi eq, %iota3A_27, %eq3A_428 : vector<256x16xi32>
    %mul3A_430 = arith.constant 4096 : i32
    %mul3A_431 = arith.muli %arg0, %mul3A_430 : i32
    %add3A_432 = vector.broadcast %mul3A_431 : i32 to vector<256x1xi32>
    %add3A_433 = arith.addi %broadcast_in_dim3A_426, %add3A_432 : vector<256x1xi32>
    %broadcast_in_dim3A_434 = vector.shape_cast %add3A_433 : vector<256x1xi32> to vector<256x1xi32>
    %broadcast_in_dim3A_435 = vector.broadcast %broadcast_in_dim3A_434 : vector<256x1xi32> to vector<256x16xi32>
    %select_n3A_436 = arith.select %eq3A_429, %broadcast_in_dim3A_435, %select_n3A_410 : vector<256x16xi1>, vector<256x16xi32>
    %swap3A = arith.constant 0 : index
    %swap3A_437 = arith.constant 0 : index
    %swap3A_438 = arith.constant 0 : index
    %swap3A_439 = vector.load %arg13[%swap3A, %swap3A_437, %swap3A_438] : memref<1x256x16xi32, #tpu.memory_space<vmem>>, vector<1x256x16xi32>
    %swap3A_440 = vector.shape_cast %swap3A_439 : vector<1x256x16xi32> to vector<256x16xi32>
    %swap3A_441 = vector.shape_cast %select_n3A_436 : vector<256x16xi32> to vector<1x256x16xi32>
    tpu.vector_store %arg13[%swap3A, %swap3A_437, %swap3A_438], %swap3A_441 {strides = array<i32>} : memref<1x256x16xi32, #tpu.memory_space<vmem>>, vector<1x256x16xi32>,
    %get3A_442 = arith.constant 0 : index
    %get3A_443 = arith.constant 0 : index
    %get3A_444 = vector.load %arg8[%get3A_442, %get3A_443] : memref<1x64xf32, #tpu.memory_space<vmem>>, vector<1x64xf32>
    %get3A_445 = arith.constant 0 : index
    %get3A_446 = arith.constant 0 : index
    %get3A_447 = arith.constant 0 : index
    %get3A_448 = vector.load %arg5[%get3A_445, %get3A_446, %get3A_447] : memref<1x256x128xf32, #tpu.memory_space<vmem>>, vector<1x256x128xf32>
    %get3A_449 = vector.shape_cast %get3A_448 : vector<1x256x128xf32> to vector<256x128xf32>
    %get3A_450 = arith.constant 0 : index
    %get3A_451 = arith.constant 0 : index
    %get3A_452 = vector.load %arg7[%get3A_450, %get3A_451] : memref<128x64xf32, #tpu.memory_space<vmem>>, vector<128x64xf32>
    %dot_general3A_453 = arith.constant dense<0.000000e+00> : vector<256x64xf32>
    %dot_general3A_454 = tpu.matmul %get3A_449, %get3A_452, %dot_general3A_453 {dimension_numbers = #tpu.dot_dimension_numbers<[1], [0], [0], [1], [0, 0, 1, 1], [], []>, precision = #tpu.contract_precision<fp32>, transpose_lhs_hint = false} : vector<256x128xf32>, vector<128x64xf32>, vector<256x64xf32> -> vector<256x64xf32>
    %add3A_455 = vector.broadcast %get3A_444 : vector<1x64xf32> to vector<256x64xf32>
    %add3A_456 = arith.addf %dot_general3A_454, %add3A_455 : vector<256x64xf32>
    %get3A_457 = arith.constant 0 : index
    %get3A_458 = arith.constant 0 : index
    %get3A_459 = arith.constant 0 : index
    %get3A_460 = vector.load %arg6[%get3A_457, %get3A_458, %get3A_459] : memref<1x256x128xf32, #tpu.memory_space<vmem>>, vector<1x256x128xf32>
    %get3A_461 = vector.shape_cast %get3A_460 : vector<1x256x128xf32> to vector<256x128xf32>
    %get3A_462 = arith.constant 0 : index
    %get3A_463 = arith.constant 0 : index
    %get3A_464 = vector.load %arg7[%get3A_462, %get3A_463] : memref<128x64xf32, #tpu.memory_space<vmem>>, vector<128x64xf32>
    %dot_general3A_465 = arith.constant dense<0.000000e+00> : vector<256x64xf32>
    %dot_general3A_466 = tpu.matmul %get3A_461, %get3A_464, %dot_general3A_465 {dimension_numbers = #tpu.dot_dimension_numbers<[1], [0], [0], [1], [0, 0, 1, 1], [], []>, precision = #tpu.contract_precision<fp32>, transpose_lhs_hint = false} : vector<256x128xf32>, vector<128x64xf32>, vector<256x64xf32> -> vector<256x64xf32>
    %add3A_467 = vector.broadcast %get3A_444 : vector<1x64xf32> to vector<256x64xf32>
    %add3A_468 = arith.addf %dot_general3A_466, %add3A_467 : vector<256x64xf32>
    %get3A_469 = arith.constant 0 : index
    %get3A_470 = arith.constant 0 : index
    %get3A_471 = vector.load %arg9[%get3A_469, %get3A_470] : memref<64x64xf32, #tpu.memory_space<vmem>>, vector<64x64xf32>
    %dot_general3A_472 = arith.constant dense<0.000000e+00> : vector<256x64xf32>
    %dot_general3A_473 = tpu.matmul %add3A_468, %get3A_471, %dot_general3A_472 {dimension_numbers = #tpu.dot_dimension_numbers<[1], [0], [0], [1], [0, 0, 1, 1], [], []>, precision = #tpu.contract_precision<fp32>, transpose_lhs_hint = false} : vector<256x64xf32>, vector<64x64xf32>, vector<256x64xf32> -> vector<256x64xf32>
    %swap3A_474 = arith.constant 0 : index
    %swap3A_475 = arith.constant 0 : index
    %swap3A_476 = arith.constant 0 : index
    %swap3A_477 = vector.load %arg14[%swap3A_474, %swap3A_475, %swap3A_476] : memref<1x256x64xf32, #tpu.memory_space<vmem>>, vector<1x256x64xf32>
    %swap3A_478 = vector.shape_cast %swap3A_477 : vector<1x256x64xf32> to vector<256x64xf32>
    %swap3A_479 = vector.shape_cast %dot_general3A_473 : vector<256x64xf32> to vector<1x256x64xf32>
    tpu.vector_store %arg14[%swap3A_474, %swap3A_475, %swap3A_476], %swap3A_479 {strides = array<i32>} : memref<1x256x64xf32, #tpu.memory_space<vmem>>, vector<1x256x64xf32>,
    %get3A_480 = arith.constant 0 : index
    %get3A_481 = arith.constant 0 : index
    %get3A_482 = vector.load %arg10[%get3A_480, %get3A_481] : memref<64x64xf32, #tpu.memory_space<vmem>>, vector<64x64xf32>
    %dot_general3A_483 = arith.constant dense<0.000000e+00> : vector<256x64xf32>
    %dot_general3A_484 = tpu.matmul %add3A_456, %get3A_482, %dot_general3A_483 {dimension_numbers = #tpu.dot_dimension_numbers<[1], [0], [0], [1], [0, 0, 1, 1], [], []>, precision = #tpu.contract_precision<fp32>, transpose_lhs_hint = false} : vector<256x64xf32>, vector<64x64xf32>, vector<256x64xf32> -> vector<256x64xf32>
    %swap3A_485 = arith.constant 0 : index
    %swap3A_486 = arith.constant 0 : index
    %swap3A_487 = arith.constant 0 : index
    %swap3A_488 = vector.load %arg15[%swap3A_485, %swap3A_486, %swap3A_487] : memref<1x256x192xf32, #tpu.memory_space<vmem>>, vector<1x256x64xf32>
    %swap3A_489 = vector.shape_cast %swap3A_488 : vector<1x256x64xf32> to vector<256x64xf32>
    %swap3A_490 = vector.shape_cast %dot_general3A_484 : vector<256x64xf32> to vector<1x256x64xf32>
    tpu.vector_store %arg15[%swap3A_485, %swap3A_486, %swap3A_487], %swap3A_490 {strides = array<i32>} : memref<1x256x192xf32, #tpu.memory_space<vmem>>, vector<1x256x64xf32>,
    %get3A_491 = arith.constant 0 : index
    %get3A_492 = arith.constant 0 : index
    %get3A_493 = vector.load %arg11[%get3A_491, %get3A_492] : memref<64x64xf32, #tpu.memory_space<vmem>>, vector<64x64xf32>
    %dot_general3A_494 = arith.constant dense<0.000000e+00> : vector<256x64xf32>
    %dot_general3A_495 = tpu.matmul %add3A_456, %get3A_493, %dot_general3A_494 {dimension_numbers = #tpu.dot_dimension_numbers<[1], [0], [0], [1], [0, 0, 1, 1], [], []>, precision = #tpu.contract_precision<fp32>, transpose_lhs_hint = false} : vector<256x64xf32>, vector<64x64xf32>, vector<256x64xf32> -> vector<256x64xf32>
    %swap3A_496 = arith.constant 0 : index
    %swap3A_497 = arith.constant 0 : index
    %swap3A_498 = arith.constant 64 : index
    %swap3A_499 = vector.load %arg15[%swap3A_496, %swap3A_497, %swap3A_498] : memref<1x256x192xf32, #tpu.memory_space<vmem>>, vector<1x256x64xf32>
    %swap3A_500 = vector.shape_cast %swap3A_499 : vector<1x256x64xf32> to vector<256x64xf32>
    %swap3A_501 = vector.shape_cast %dot_general3A_495 : vector<256x64xf32> to vector<1x256x64xf32>
    tpu.vector_store %arg15[%swap3A_496, %swap3A_497, %swap3A_498], %swap3A_501 {strides = array<i32>} : memref<1x256x192xf32, #tpu.memory_space<vmem>>, vector<1x256x64xf32>,
    %get3A_502 = arith.constant 0 : index
    %get3A_503 = arith.constant 0 : index
    %get3A_504 = vector.load %arg12[%get3A_502, %get3A_503] : memref<8x64xf32, #tpu.memory_space<vmem>>, vector<8x64xf32>
    %dot_general3A_505 = arith.constant dense<0.000000e+00> : vector<256x64xf32>
    %dot_general3A_506 = tpu.matmul %get3A_14, %get3A_504, %dot_general3A_505 {dimension_numbers = #tpu.dot_dimension_numbers<[1], [0], [0], [1], [0, 0, 1, 1], [], []>, precision = #tpu.contract_precision<fp32>, transpose_lhs_hint = false} : vector<256x8xf32>, vector<8x64xf32>, vector<256x64xf32> -> vector<256x64xf32>
    %swap3A_507 = arith.constant 0 : index
    %swap3A_508 = arith.constant 0 : index
    %swap3A_509 = arith.constant 128 : index
    %swap3A_510 = vector.load %arg15[%swap3A_507, %swap3A_508, %swap3A_509] : memref<1x256x192xf32, #tpu.memory_space<vmem>>, vector<1x256x64xf32>
    %swap3A_511 = vector.shape_cast %swap3A_510 : vector<1x256x64xf32> to vector<256x64xf32>
    %swap3A_512 = vector.shape_cast %dot_general3A_506 : vector<256x64xf32> to vector<1x256x64xf32>
    tpu.vector_store %arg15[%swap3A_507, %swap3A_508, %swap3A_509], %swap3A_512 {strides = array<i32>} : memref<1x256x192xf32, #tpu.memory_space<vmem>>, vector<1x256x64xf32>,
    return
  }
  func.func @transform_0(%arg0: i32, %arg1: i32) -> (i32, i32, i32) {
    %c0_i32 = arith.constant 0 : i32
    %c0_i32_0 = arith.constant 0 : i32
    %c0_i32_1 = arith.constant 0 : i32
    return %arg0, %c0_i32, %c0_i32_0 : i32, i32, i32
  }
  func.func @transform_1(%arg0: i32, %arg1: i32) -> (i32, i32, i32) {
    %c0_i32 = arith.constant 0 : i32
    %c0_i32_0 = arith.constant 0 : i32
    %c0_i32_1 = arith.constant 0 : i32
    return %arg0, %c0_i32, %c0_i32_0 : i32, i32, i32
  }
  func.func @transform_2(%arg0: i32, %arg1: i32) -> (i32, i32, i32) {
    %c0_i32 = arith.constant 0 : i32
    %c0_i32_0 = arith.constant 0 : i32
    return %arg0, %arg1, %c0_i32 : i32, i32, i32
  }
  func.func @transform_3(%arg0: i32, %arg1: i32) -> (i32, i32, i32) {
    %c0_i32 = arith.constant 0 : i32
    %c0_i32_0 = arith.constant 0 : i32
    return %arg0, %arg1, %c0_i32 : i32, i32, i32
  }
  func.func @transform_4(%arg0: i32, %arg1: i32) -> (i32, i32, i32) {
    %c0_i32 = arith.constant 0 : i32
    %c0_i32_0 = arith.constant 0 : i32
    return %arg0, %arg1, %c0_i32 : i32, i32, i32
  }
  func.func @transform_5(%arg0: i32, %arg1: i32) -> (i32, i32) {
    %c0_i32 = arith.constant 0 : i32
    %c0_i32_0 = arith.constant 0 : i32
    %c0_i32_1 = arith.constant 0 : i32
    return %c0_i32, %c0_i32_0 : i32, i32
  }
  func.func @transform_6(%arg0: i32, %arg1: i32) -> (i32, i32) {
    %c0_i32 = arith.constant 0 : i32
    %c0_i32_0 = arith.constant 0 : i32
    %c0_i32_1 = arith.constant 0 : i32
    return %c0_i32, %c0_i32_0 : i32, i32
  }
  func.func @transform_7(%arg0: i32, %arg1: i32) -> (i32, i32) {
    %c0_i32 = arith.constant 0 : i32
    %c0_i32_0 = arith.constant 0 : i32
    %c0_i32_1 = arith.constant 0 : i32
    return %c0_i32, %c0_i32_0 : i32, i32
  }
  func.func @transform_8(%arg0: i32, %arg1: i32) -> (i32, i32) {
    %c0_i32 = arith.constant 0 : i32
    %c0_i32_0 = arith.constant 0 : i32
    %c0_i32_1 = arith.constant 0 : i32
    return %c0_i32, %c0_i32_0 : i32, i32
  }
  func.func @transform_9(%arg0: i32, %arg1: i32) -> (i32, i32) {
    %c0_i32 = arith.constant 0 : i32
    %c0_i32_0 = arith.constant 0 : i32
    %c0_i32_1 = arith.constant 0 : i32
    return %c0_i32, %c0_i32_0 : i32, i32
  }
  func.func @transform_10(%arg0: i32, %arg1: i32) -> (i32, i32) {
    %c0_i32 = arith.constant 0 : i32
    %c0_i32_0 = arith.constant 0 : i32
    %c0_i32_1 = arith.constant 0 : i32
    return %c0_i32, %c0_i32_0 : i32, i32
  }
  func.func @transform_11(%arg0: i32, %arg1: i32) -> (i32, i32, i32) {
    %c0_i32 = arith.constant 0 : i32
    %c0_i32_0 = arith.constant 0 : i32
    return %arg0, %arg1, %c0_i32 : i32, i32, i32
  }
  func.func @transform_12(%arg0: i32, %arg1: i32) -> (i32, i32, i32) {
    %c0_i32 = arith.constant 0 : i32
    %c0_i32_0 = arith.constant 0 : i32
    return %arg0, %arg1, %c0_i32 : i32, i32, i32
  }
  func.func @transform_13(%arg0: i32, %arg1: i32) -> (i32, i32, i32) {
    %c0_i32 = arith.constant 0 : i32
    %c0_i32_0 = arith.constant 0 : i32
    return %arg0, %arg1, %c0_i32 : i32, i32, i32
  }
}

module attributes {stable_mosaic.version = 14 : i64} {
  func.func @_stage3_body(%arg0: i32, %arg1: memref<4096x192xf32, #tpu.memory_space<vmem>>, %arg2: memref<256x64xf32, #tpu.memory_space<vmem>>, %arg3: memref<256x192xf32, #tpu.memory_space<vmem>>, %arg4: memref<256x128xf32, #tpu.memory_space<vmem>>, %arg5: memref<1x64xf32, #tpu.memory_space<vmem>>, %arg6: memref<64x64xf32, #tpu.memory_space<vmem>>, %arg7: memref<1x64xf32, #tpu.memory_space<vmem>>, %arg8: memref<64x64xf32, #tpu.memory_space<vmem>>, %arg9: memref<1x64xf32, #tpu.memory_space<vmem>>, %arg10: memref<64x64xf32, #tpu.memory_space<vmem>>, %arg11: memref<1x64xf32, #tpu.memory_space<vmem>>, %arg12: memref<64x128xf32, #tpu.memory_space<vmem>>, %arg13: memref<1x128xf32, #tpu.memory_space<vmem>>, %arg14: memref<4096x64xf32, #tpu.memory_space<vmem>>, %arg15: memref<256x128xf32, #tpu.memory_space<vmem>>) attributes {dimension_semantics = [#tpu.dimension_semantics<arbitrary>], iteration_bounds = array<i64: 32>, scalar_prefetch = 0 : i64, scratch_operands = 0 : i64, tpu.core_type = #tpu.core_type<tc>, window_params = [{transform_indices = @transform_0, window_bounds = array<i64: 4096, 192>}, {transform_indices = @transform_1, window_bounds = array<i64: 256, 64>}, {transform_indices = @transform_2, window_bounds = array<i64: 256, 192>}, {transform_indices = @transform_3, window_bounds = array<i64: 256, 128>}, {pipeline_mode = #tpu.pipeline_mode<synchronous>, transform_indices = @transform_4, window_bounds = array<i64: 1, 64>}, {pipeline_mode = #tpu.pipeline_mode<synchronous>, transform_indices = @transform_5, window_bounds = array<i64: 64, 64>}, {pipeline_mode = #tpu.pipeline_mode<synchronous>, transform_indices = @transform_6, window_bounds = array<i64: 1, 64>}, {pipeline_mode = #tpu.pipeline_mode<synchronous>, transform_indices = @transform_7, window_bounds = array<i64: 64, 64>}, {pipeline_mode = #tpu.pipeline_mode<synchronous>, transform_indices = @transform_8, window_bounds = array<i64: 1, 64>}, {pipeline_mode = #tpu.pipeline_mode<synchronous>, transform_indices = @transform_9, window_bounds = array<i64: 64, 64>}, {pipeline_mode = #tpu.pipeline_mode<synchronous>, transform_indices = @transform_10, window_bounds = array<i64: 1, 64>}, {pipeline_mode = #tpu.pipeline_mode<synchronous>, transform_indices = @transform_11, window_bounds = array<i64: 64, 128>}, {pipeline_mode = #tpu.pipeline_mode<synchronous>, transform_indices = @transform_12, window_bounds = array<i64: 1, 128>}, {transform_indices = @transform_13, window_bounds = array<i64: 4096, 64>}, {transform_indices = @transform_14, window_bounds = array<i64: 256, 128>}]} {
    %get3A = arith.constant 0 : index
    %get3A_0 = arith.constant 0 : index
    %get3A_1 = vector.load %arg1[%get3A, %get3A_0] : memref<4096x192xf32, #tpu.memory_space<vmem>>, vector<4096x192xf32>
    %slice3A = vector.extract_strided_slice %get3A_1 {offsets = [0, 0], sizes = [4096, 64], strides = [1, 1]} : vector<4096x192xf32> to vector<4096x64xf32>
    %slice3A_2 = vector.extract_strided_slice %get3A_1 {offsets = [0, 64], sizes = [4096, 64], strides = [1, 1]} : vector<4096x192xf32> to vector<4096x64xf32>
    %slice3A_3 = vector.extract_strided_slice %get3A_1 {offsets = [0, 128], sizes = [4096, 64], strides = [1, 1]} : vector<4096x192xf32> to vector<4096x64xf32>
    %get3A_4 = arith.constant 0 : index
    %get3A_5 = arith.constant 128 : index
    %get3A_6 = vector.load %arg3[%get3A_4, %get3A_5] : memref<256x192xf32, #tpu.memory_space<vmem>>, vector<256x64xf32>
    %get3A_7 = arith.constant 0 : index
    %get3A_8 = arith.constant 0 : index
    %get3A_9 = vector.load %arg2[%get3A_7, %get3A_8] : memref<256x64xf32, #tpu.memory_space<vmem>>, vector<256x64xf32>
    %broadcast_in_dim3A = vector.shape_cast %get3A_6 : vector<256x64xf32> to vector<256x1x64xf32>
    %reshape3A = vector.shape_cast %slice3A_3 : vector<4096x64xf32> to vector<256x16x64xf32>
    %sub3A = vector.broadcast %broadcast_in_dim3A : vector<256x1x64xf32> to vector<256x16x64xf32>
    %sub3A_10 = arith.subf %sub3A, %reshape3A : vector<256x16x64xf32>
    %get3A_11 = arith.constant 0 : index
    %get3A_12 = arith.constant 0 : index
    %get3A_13 = vector.load %arg5[%get3A_11, %get3A_12] : memref<1x64xf32, #tpu.memory_space<vmem>>, vector<1x64xf32>
    %broadcast_in_dim3A_14 = vector.shape_cast %get3A_13 : vector<1x64xf32> to vector<1x1x64xf32>
    %add3A = vector.broadcast %broadcast_in_dim3A_14 : vector<1x1x64xf32> to vector<256x16x64xf32>
    %add3A_15 = arith.addf %sub3A_10, %add3A : vector<256x16x64xf32>
    %max3A = arith.constant 0.000000e+00 : f32
    %max3A_16 = vector.broadcast %max3A : f32 to vector<256x16x64xf32>
    %max3A_17 = arith.maximumf %add3A_15, %max3A_16 : vector<256x16x64xf32>
    %reshape3A_18 = vector.shape_cast %max3A_17 : vector<256x16x64xf32> to vector<4096x64xf32>
    %get3A_19 = arith.constant 0 : index
    %get3A_20 = arith.constant 0 : index
    %get3A_21 = vector.load %arg6[%get3A_19, %get3A_20] : memref<64x64xf32, #tpu.memory_space<vmem>>, vector<64x64xf32>
    %dot_general3A = arith.constant dense<0.000000e+00> : vector<4096x64xf32>
    %dot_general3A_22 = tpu.matmul %reshape3A_18, %get3A_21, %dot_general3A {dimension_numbers = #tpu.dot_dimension_numbers<[1], [0], [0], [1], [0, 0, 1, 1], [], []>, precision = #tpu.contract_precision<fp32>, transpose_lhs_hint = false} : vector<4096x64xf32>, vector<64x64xf32>, vector<4096x64xf32> -> vector<4096x64xf32>
    %get3A_23 = arith.constant 0 : index
    %get3A_24 = arith.constant 0 : index
    %get3A_25 = vector.load %arg7[%get3A_23, %get3A_24] : memref<1x64xf32, #tpu.memory_space<vmem>>, vector<1x64xf32>
    %add3A_26 = vector.broadcast %get3A_25 : vector<1x64xf32> to vector<4096x64xf32>
    %add3A_27 = arith.addf %dot_general3A_22, %add3A_26 : vector<4096x64xf32>
    %reshape3A_28 = vector.shape_cast %add3A_27 : vector<4096x64xf32> to vector<256x16x64xf32>
    %broadcast_in_dim3A_29 = vector.shape_cast %get3A_9 : vector<256x64xf32> to vector<256x1x64xf32>
    %reshape3A_30 = vector.shape_cast %slice3A : vector<4096x64xf32> to vector<256x16x64xf32>
    %sub3A_31 = vector.broadcast %broadcast_in_dim3A_29 : vector<256x1x64xf32> to vector<256x16x64xf32>
    %sub3A_32 = arith.subf %sub3A_31, %reshape3A_30 : vector<256x16x64xf32>
    %add3A_33 = arith.addf %sub3A_32, %reshape3A_28 : vector<256x16x64xf32>
    %reshape3A_34 = vector.shape_cast %add3A_33 : vector<256x16x64xf32> to vector<4096x64xf32>
    %get3A_35 = arith.constant 0 : index
    %get3A_36 = arith.constant 0 : index
    %get3A_37 = vector.load %arg8[%get3A_35, %get3A_36] : memref<64x64xf32, #tpu.memory_space<vmem>>, vector<64x64xf32>
    %dot_general3A_38 = arith.constant dense<0.000000e+00> : vector<4096x64xf32>
    %dot_general3A_39 = tpu.matmul %reshape3A_34, %get3A_37, %dot_general3A_38 {dimension_numbers = #tpu.dot_dimension_numbers<[1], [0], [0], [1], [0, 0, 1, 1], [], []>, precision = #tpu.contract_precision<fp32>, transpose_lhs_hint = false} : vector<4096x64xf32>, vector<64x64xf32>, vector<4096x64xf32> -> vector<4096x64xf32>
    %get3A_40 = arith.constant 0 : index
    %get3A_41 = arith.constant 0 : index
    %get3A_42 = vector.load %arg9[%get3A_40, %get3A_41] : memref<1x64xf32, #tpu.memory_space<vmem>>, vector<1x64xf32>
    %add3A_43 = vector.broadcast %get3A_42 : vector<1x64xf32> to vector<4096x64xf32>
    %add3A_44 = arith.addf %dot_general3A_39, %add3A_43 : vector<4096x64xf32>
    %max3A_45 = arith.constant 0.000000e+00 : f32
    %max3A_46 = vector.broadcast %max3A_45 : f32 to vector<4096x64xf32>
    %max3A_47 = arith.maximumf %add3A_44, %max3A_46 : vector<4096x64xf32>
    %get3A_48 = arith.constant 0 : index
    %get3A_49 = arith.constant 0 : index
    %get3A_50 = vector.load %arg10[%get3A_48, %get3A_49] : memref<64x64xf32, #tpu.memory_space<vmem>>, vector<64x64xf32>
    %dot_general3A_51 = arith.constant dense<0.000000e+00> : vector<4096x64xf32>
    %dot_general3A_52 = tpu.matmul %max3A_47, %get3A_50, %dot_general3A_51 {dimension_numbers = #tpu.dot_dimension_numbers<[1], [0], [0], [1], [0, 0, 1, 1], [], []>, precision = #tpu.contract_precision<fp32>, transpose_lhs_hint = false} : vector<4096x64xf32>, vector<64x64xf32>, vector<4096x64xf32> -> vector<4096x64xf32>
    %get3A_53 = arith.constant 0 : index
    %get3A_54 = arith.constant 0 : index
    %get3A_55 = vector.load %arg11[%get3A_53, %get3A_54] : memref<1x64xf32, #tpu.memory_space<vmem>>, vector<1x64xf32>
    %add3A_56 = vector.broadcast %get3A_55 : vector<1x64xf32> to vector<4096x64xf32>
    %add3A_57 = arith.addf %dot_general3A_52, %add3A_56 : vector<4096x64xf32>
    %mul3A = arith.constant 1.250000e-01 : f32
    %mul3A_58 = vector.broadcast %mul3A : f32 to vector<4096x64xf32>
    %mul3A_59 = arith.mulf %add3A_57, %mul3A_58 : vector<4096x64xf32>
    %reshape3A_60 = vector.shape_cast %mul3A_59 : vector<4096x64xf32> to vector<256x16x64xf32>
    %reduce_max3A = arith.constant dense<0xFF800000> : vector<256x64xf32>
    %reduce_max3A_61 = vector.multi_reduction <maximumf>, %reshape3A_60, %reduce_max3A [1] : vector<256x16x64xf32> to vector<256x64xf32>
    %broadcast_in_dim3A_62 = vector.shape_cast %reduce_max3A_61 : vector<256x64xf32> to vector<256x1x64xf32>
    %sub3A_63 = vector.broadcast %broadcast_in_dim3A_62 : vector<256x1x64xf32> to vector<256x16x64xf32>
    %sub3A_64 = arith.subf %reshape3A_60, %sub3A_63 : vector<256x16x64xf32>
    %exp3A = math.exp %sub3A_64 : vector<256x16x64xf32>
    %reduce_sum3A = arith.constant dense<0.000000e+00> : vector<256x64xf32>
    %reduce_sum3A_65 = vector.multi_reduction <add>, %exp3A, %reduce_sum3A [1] : vector<256x16x64xf32> to vector<256x64xf32>
    %broadcast_in_dim3A_66 = vector.shape_cast %reduce_sum3A_65 : vector<256x64xf32> to vector<256x1x64xf32>
    %div3A = vector.broadcast %broadcast_in_dim3A_66 : vector<256x1x64xf32> to vector<256x16x64xf32>
    %div3A_67 = arith.divf %exp3A, %div3A : vector<256x16x64xf32>
    %reshape3A_68 = vector.shape_cast %div3A_67 : vector<256x16x64xf32> to vector<4096x64xf32>
    %swap3A = arith.constant 0 : index
    %swap3A_69 = arith.constant 0 : index
    %swap3A_70 = vector.load %arg14[%swap3A, %swap3A_69] : memref<4096x64xf32, #tpu.memory_space<vmem>>, vector<4096x64xf32>
    tpu.vector_store %arg14[%swap3A, %swap3A_69], %reshape3A_68 {strides = array<i32>} : memref<4096x64xf32, #tpu.memory_space<vmem>>, vector<4096x64xf32>,
    %reshape3A_71 = vector.shape_cast %slice3A_2 : vector<4096x64xf32> to vector<256x16x64xf32>
    %add3A_72 = arith.addf %reshape3A_71, %reshape3A_28 : vector<256x16x64xf32>
    %mul3A_73 = arith.mulf %div3A_67, %add3A_72 : vector<256x16x64xf32>
    %reduce_sum3A_74 = arith.constant dense<0.000000e+00> : vector<256x64xf32>
    %reduce_sum3A_75 = vector.multi_reduction <add>, %mul3A_73, %reduce_sum3A_74 [1] : vector<256x16x64xf32> to vector<256x64xf32>
    %get3A_76 = arith.constant 0 : index
    %get3A_77 = arith.constant 0 : index
    %get3A_78 = vector.load %arg12[%get3A_76, %get3A_77] : memref<64x128xf32, #tpu.memory_space<vmem>>, vector<64x128xf32>
    %dot_general3A_79 = arith.constant dense<0.000000e+00> : vector<256x128xf32>
    %dot_general3A_80 = tpu.matmul %reduce_sum3A_75, %get3A_78, %dot_general3A_79 {dimension_numbers = #tpu.dot_dimension_numbers<[1], [0], [0], [1], [0, 0, 1, 1], [], []>, precision = #tpu.contract_precision<fp32>, transpose_lhs_hint = false} : vector<256x64xf32>, vector<64x128xf32>, vector<256x128xf32> -> vector<256x128xf32>
    %get3A_81 = arith.constant 0 : index
    %get3A_82 = arith.constant 0 : index
    %get3A_83 = vector.load %arg13[%get3A_81, %get3A_82] : memref<1x128xf32, #tpu.memory_space<vmem>>, vector<1x128xf32>
    %add3A_84 = vector.broadcast %get3A_83 : vector<1x128xf32> to vector<256x128xf32>
    %add3A_85 = arith.addf %dot_general3A_80, %add3A_84 : vector<256x128xf32>
    %get3A_86 = arith.constant 0 : index
    %get3A_87 = arith.constant 0 : index
    %get3A_88 = vector.load %arg4[%get3A_86, %get3A_87] : memref<256x128xf32, #tpu.memory_space<vmem>>, vector<256x128xf32>
    %add3A_89 = arith.addf %add3A_85, %get3A_88 : vector<256x128xf32>
    %swap3A_90 = arith.constant 0 : index
    %swap3A_91 = arith.constant 0 : index
    %swap3A_92 = vector.load %arg15[%swap3A_90, %swap3A_91] : memref<256x128xf32, #tpu.memory_space<vmem>>, vector<256x128xf32>
    tpu.vector_store %arg15[%swap3A_90, %swap3A_91], %add3A_89 {strides = array<i32>} : memref<256x128xf32, #tpu.memory_space<vmem>>, vector<256x128xf32>,
    return
  }
  func.func @transform_0(%arg0: i32) -> (i32, i32) {
    %c0_i32 = arith.constant 0 : i32
    %c0_i32_0 = arith.constant 0 : i32
    return %arg0, %c0_i32 : i32, i32
  }
  func.func @transform_1(%arg0: i32) -> (i32, i32) {
    %c0_i32 = arith.constant 0 : i32
    %c0_i32_0 = arith.constant 0 : i32
    return %arg0, %c0_i32 : i32, i32
  }
  func.func @transform_2(%arg0: i32) -> (i32, i32) {
    %c0_i32 = arith.constant 0 : i32
    %c0_i32_0 = arith.constant 0 : i32
    return %arg0, %c0_i32 : i32, i32
  }
  func.func @transform_3(%arg0: i32) -> (i32, i32) {
    %c0_i32 = arith.constant 0 : i32
    %c0_i32_0 = arith.constant 0 : i32
    return %arg0, %c0_i32 : i32, i32
  }
  func.func @transform_4(%arg0: i32) -> (i32, i32) {
    %c0_i32 = arith.constant 0 : i32
    %c0_i32_0 = arith.constant 0 : i32
    %c0_i32_1 = arith.constant 0 : i32
    return %c0_i32, %c0_i32_0 : i32, i32
  }
  func.func @transform_5(%arg0: i32) -> (i32, i32) {
    %c0_i32 = arith.constant 0 : i32
    %c0_i32_0 = arith.constant 0 : i32
    %c0_i32_1 = arith.constant 0 : i32
    return %c0_i32, %c0_i32_0 : i32, i32
  }
  func.func @transform_6(%arg0: i32) -> (i32, i32) {
    %c0_i32 = arith.constant 0 : i32
    %c0_i32_0 = arith.constant 0 : i32
    %c0_i32_1 = arith.constant 0 : i32
    return %c0_i32, %c0_i32_0 : i32, i32
  }
  func.func @transform_7(%arg0: i32) -> (i32, i32) {
    %c0_i32 = arith.constant 0 : i32
    %c0_i32_0 = arith.constant 0 : i32
    %c0_i32_1 = arith.constant 0 : i32
    return %c0_i32, %c0_i32_0 : i32, i32
  }
  func.func @transform_8(%arg0: i32) -> (i32, i32) {
    %c0_i32 = arith.constant 0 : i32
    %c0_i32_0 = arith.constant 0 : i32
    %c0_i32_1 = arith.constant 0 : i32
    return %c0_i32, %c0_i32_0 : i32, i32
  }
  func.func @transform_9(%arg0: i32) -> (i32, i32) {
    %c0_i32 = arith.constant 0 : i32
    %c0_i32_0 = arith.constant 0 : i32
    %c0_i32_1 = arith.constant 0 : i32
    return %c0_i32, %c0_i32_0 : i32, i32
  }
  func.func @transform_10(%arg0: i32) -> (i32, i32) {
    %c0_i32 = arith.constant 0 : i32
    %c0_i32_0 = arith.constant 0 : i32
    %c0_i32_1 = arith.constant 0 : i32
    return %c0_i32, %c0_i32_0 : i32, i32
  }
  func.func @transform_11(%arg0: i32) -> (i32, i32) {
    %c0_i32 = arith.constant 0 : i32
    %c0_i32_0 = arith.constant 0 : i32
    %c0_i32_1 = arith.constant 0 : i32
    return %c0_i32, %c0_i32_0 : i32, i32
  }
  func.func @transform_12(%arg0: i32) -> (i32, i32) {
    %c0_i32 = arith.constant 0 : i32
    %c0_i32_0 = arith.constant 0 : i32
    %c0_i32_1 = arith.constant 0 : i32
    return %c0_i32, %c0_i32_0 : i32, i32
  }
  func.func @transform_13(%arg0: i32) -> (i32, i32) {
    %c0_i32 = arith.constant 0 : i32
    %c0_i32_0 = arith.constant 0 : i32
    return %arg0, %c0_i32 : i32, i32
  }
  func.func @transform_14(%arg0: i32) -> (i32, i32) {
    %c0_i32 = arith.constant 0 : i32
    %c0_i32_0 = arith.constant 0 : i32
    return %arg0, %c0_i32 : i32, i32
  }
}

</mosaic_0001>

<sc_bundles>
// kernel: kernel.5.cloned.1.call-start
scs
__scs_entry_jumppad:
0x0: {  	(pc) =	sbr.rel $0x88, $3  }
0x1: {  	(tag) =	ssettag $0x0;
	lr =	simm.s32 $0x1  }
0x2: {  	[smem:$0x3F8F] =	sst lr;
	_ =	strace $0xD0000000  }
0x3: {  	_ = 	snop  }
0x4: {  	_ = 	snop  }
0x5: {  	_ = 	snop  }
0x6: {  	_ = 	snop  }
0x7: {  	_ = 	snop  }
__scs_overlays_trampoline_lowered:
0x8: {  	[smem:$0x3F9E] =	sst s0  }
0x9: {  	[smem:$0x3F9F] =	sst s1  }
0xa: {  	[smem:$0x3FA0] =	sst s2  }
0xb: {  	[smem:$0x3FA1] =	sst s3  }
0xc: {  	[smem:$0x3FA2] =	sst s4  }
0xd: {  	[smem:$0x3FA3] =	sst s5  }
0xe: {  	[smem:$0x3FA4] =	sst s6  }
0xf: {  	[smem:$0x3FA5] =	sst s7  }
0x10: {  	[smem:$0x3FA6] =	sst s8  }
0x11: {  	[smem:$0x3FA7] =	sst s9;
	s0 =	simm.s32 @!p0 $0x0  }
0x12: {  	s1 =	sld [smem:$0x3F8D];
	s0 =	simm.s32 @p0 $0x1  }
0x13: {  	[smem:$0x3FA8] =	sst s0;
	s0 =	simm.s32 @!p1 $0x0  }
0x14: {  	s2 =	sld [smem:$0x3F8C];
	s0 =	simm.s32 @p1 $0x1  }
0x15: {  	[smem:$0x3FA9] =	sst s0;
	s0 =	simm.s32 @!p2 $0x0  }
0x16: {  	s3 =	sld [smem:$0x3FDB];
	s0 =	simm.s32 @p2 $0x1  }
0x17: {  	s4 =	simm.s32 $0x1BF5;
	[smem:$0x3FAB] =	sst s0  }
0x18: {  	s0 =	sld [smem:$0x3F8E];
	_ =	swait.ge [sflag:s4], $0x0  }
0x19: {  	s7 =	sld [smem:$0x3F8F]  }
0x1a: {  	s8 =	sadd.s32 $0xFFFFE003, lr  }
0x1b: {  	s9 =	sadd.s32 $0xFFFFFEF7, lr;
	s5 =	simm.s32 $0xFFFFFFFF;
	p2 =	slt.u32 s8, $0xFFFFF086  }
0x1c: {  	p1 =	slt.u32 s9, $0xF7A;
	s5 =	simm.s32 @!p2 $0x0  }
0x1d: {  	s5 =	simm.s32 @p1 $0x1;
	p0 =	seq.s32 s7, s2  }
0x1e: {  	s7 =	smul.u32 @!p0 $0xF7A, s2;
	p2 =	seq.s32 @!p0 s5, $0x0  }
0x1f: {  	s9 =	smul.u32 $0xF7A, s1;
	s8 =	simm.s32 @!p0 $0x1BF5;
	p2 =	por !p2, p0  }
0x20: {  	[sflag:s8] =	ssyncset.s32 @!p0 $0xFFFFF086;
	s6 =	sadd.s32 @!p0 s3, s7;
	s7 =	simm.s32 @!p0 $0x108  }
0x21: {  	s3 =	sadd.s32 s3, s9;
	s6 =	sadd.s32 @!p0 $0x88, s6;
	s7 =	simm.s32 @p2 $0x1082  }
0x22: {  	[simem:s7], [sflag:s8] =	dma.local @!p0 [hbm:s6], $0xF7A  }
0x23: {  	s9 =	sor.u32 $0xD0000000, s2;
	s6 =	simm.s32 $0x108;
	_ =	swait.ge @!p0 [sflag:s8], $0x0  }
0x24: {  	s3 =	sadd.s32 $0x88, s3;
	s6 =	simm.s32 @!p1 $0x1082;
	[sflag:s4] =	ssyncset.s32 $0xFFFFF086  }
0x25: {  	[simem:s6], [sflag:s4] =	dma.local [hbm:s3], $0xF7A  }
0x26: {  	[smem:$0x3F8F] =	sst s1;
	(tag) =	ssettag s2;
	_ =	strace s9  }
0x27: {  	s1 =	sld [smem:$0x3F9F]  }
0x28: {  	s2 =	sld [smem:$0x3FA0]  }
0x29: {  	s4 =	sld [smem:$0x3FA2]  }
0x2a: {  	p0 =	seq.s32 s5, $0x0;
	s5 =	sld [smem:$0x3FA3]  }
0x2b: {  	s6 =	sld [smem:$0x3FA4]  }
0x2c: {  	s7 =	sld [smem:$0x3FA5]  }
0x2d: {  	s3 =	simm.s32 $0x108;
	s8 =	sld [smem:$0x3FA6]  }
0x2e: {  	s3 =	simm.s32 @!p0 $0x1082;
	s9 =	sld [smem:$0x3FA7]  }
0x2f: {  	lr =	sadd.s32 s0, s3;
	s0 =	sld [smem:$0x3F9E]  }
0x30: {  	s3 =	sld [smem:$0x3FA1]  }
0x31: {  	[smem:$0x3FAA] =	sst s10  }
0x32: {  	s10 =	sld [smem:$0x3FA8];
	_ =	sdelay $0x3  }
0x33: {  	p0 =	seq.s32 s10, $0x1;
	s10 =	sld [smem:$0x3FAA];
	_ =	sdelay $0x3  }
0x34: {  	[smem:$0x3FAA] =	sst s10  }
0x35: {  	s10 =	sld [smem:$0x3FA9];
	_ =	sdelay $0x3  }
0x36: {  	p1 =	seq.s32 s10, $0x1;
	s10 =	sld [smem:$0x3FAA];
	_ =	sdelay $0x3  }
0x37: {  	[smem:$0x3FAA] =	sst s10  }
0x38: {  	s10 =	sld [smem:$0x3FAB]  }
0x39: {  	_ = 	snop;
	(pc) =	sbr.ind lr, $3  }
0x3a: {  	_ = 	snop  }
0x3b: {  	_ = 	snop  }
0x3c: {  	p2 =	seq.s32 s10, $0x1;
	s10 =	sld [smem:$0x3FAA]  }
0x3d: {  	_ =	shalt  }
0x3e: {  	_ =	shalt  }
0x3f: {  	_ =	shalt  }
0x40: {  	_ =	shalt  }
0x41: {  	_ =	shalt  }
0x42: {  	_ =	shalt  }
0x43: {  	_ =	shalt  }
0x44: {  	_ =	shalt  }
0x45: {  	_ =	shalt  }
0x46: {  	_ =	shalt  }
0x47: {  	_ =	shalt  }
0x48: {  	_ =	shalt  }
0x49: {  	_ =	shalt  }
0x4a: {  	_ =	shalt  }
0x4b: {  	_ =	shalt  }
0x4c: {  	_ =	shalt  }
0x4d: {  	_ =	shalt  }
0x4e: {  	_ =	shalt  }
0x4f: {  	_ =	shalt  }
0x50: {  	_ =	shalt  }
0x51: {  	_ =	shalt  }
0x52: {  	_ =	shalt  }
0x53: {  	_ =	shalt  }
0x54: {  	_ =	shalt  }
0x55: {  	_ =	shalt  }
0x56: {  	_ =	shalt  }
0x57: {  	_ =	shalt  }
0x58: {  	_ =	shalt  }
0x59: {  	_ =	shalt  }
0x5a: {  	_ =	shalt  }
0x5b: {  	_ =	shalt  }
0x5c: {  	_ =	shalt  }
0x5d: {  	_ =	shalt  }
0x5e: {  	_ =	shalt  }
0x5f: {  	_ =	shalt  }
0x60: {  	_ =	shalt  }
0x61: {  	_ =	shalt  }
0x62: {  	_ =	shalt  }
0x63: {  	_ =	shalt  }
0x64: {  	_ =	shalt  }
0x65: {  	_ =	shalt  }
0x66: {  	_ =	shalt  }
0x67: {  	_ =	shalt  }
0x68: {  	_ =	shalt  }
0x69: {  	_ =	shalt  }
0x6a: {  	_ =	shalt  }
0x6b: {  	_ =	shalt  }
0x6c: {  	_ =	shalt  }
0x6d: {  	_ =	shalt  }
0x6e: {  	_ =	shalt  }
0x6f: {  	_ =	shalt  }
0x70: {  	_ =	shalt  }
0x71: {  	_ =	shalt  }
0x72: {  	_ =	shalt  }
0x73: {  	_ =	shalt  }
0x74: {  	_ =	shalt  }
0x75: {  	_ =	shalt  }
0x76: {  	_ =	shalt  }
0x77: {  	_ =	shalt  }
0x78: {  	_ =	shalt  }
0x79: {  	_ =	shalt  }
0x7a: {  	_ =	shalt  }
0x7b: {  	_ =	shalt  }
0x7c: {  	_ =	shalt  }
0x7d: {  	_ =	shalt  }
0x7e: {  	_ =	shalt  }
0x7f: {  	_ =	shalt  }
0x80: {  	_ =	shalt  }
0x81: {  	_ =	shalt  }
0x82: {  	_ =	shalt  }
0x83: {  	_ =	shalt  }
0x84: {  	_ =	shalt  }
0x85: {  	_ =	shalt  }
0x86: {  	_ =	shalt  }
0x87: {  	_ =	shalt  }
.Lfunc_end0:
.L_simem_size_0:
called_computation.1_lowered:
.L_overlay_start_0:
0x88: {  	s2 =	sld [smem:$0x3FD9]  }
0x89: {  	s3 =	sld [smem:$0x3FFE];
	_ =	sdelay $0x1  }
0x8a: {  	s1 =	srdreg.scid  }
0x8b: {  	s0 =	sand.u32 $0x1, s1  }
0x8c: {  	s16 =	sshll.u32 s0, $0xA;
	s2 =	sadd.s32 s3, s2  }
0x8d: {  	s2 =	sadd.s32 s2, s16  }
0x8e: {  	[smem:$0x3FB6] =	sst s2  }
0x8f: {  	_ = 	snop  }
0x90: {  	(tm) =	ssettm $0x1  }
0x91: {  	s17 =	sld [smem:$0x3FFB];
	_ =	sdelay $0x3  }
0x92: {  	_ =	strace s17  }
0x93: {  	s2 =	sld [smem:$0x3FFC];
	_ =	sdelay $0x3  }
0x94: {  	_ =	strace s2  }
0x95: {  	s2 =	sld [smem:$0x3FFD];
	_ =	sdelay $0x3  }
0x96: {  	_ =	strace s2  }
0x97: {  	_ =	strace $0x8FFFFFFF  }
0x98: {  	s18 =	sld [smem:$0x3FDB];
	_ =	sdelay $0x1  }
0x99: {  	s19 =	simm.s32 $_scs_section_size  }
0x9a: {  	s4 =	simm.s32 $_size__tile_overlayer_lowered;
	s5 =	simm.s32 $_tile_overlayer_lowered  }
0x9b: {  	s22 =	simm.s32 $0x1BFF;
	s21 =	sshll.u32 s5, $0x1;
	s2 =	sadd.s32 s19, s18  }
0x9c: {  	s6 =	simm.s32 $0x0;
	s20 =	sshll.u32 s4, $0x1;
	s4 =	sadd.s32 s21, s2  }
0x9d: {  	[timem:s6], [sflag:s22] =	dma.local [hbm:s4], s20  }
0x9e: {  	_ =	swait.ge [sflag:s22], s20  }
0x9f: {  	s3 =	ssub.s32 $0x0, s20;
	[sflag:s22] =	ssyncset.done $0x0  }
0xa0: {  	[sflag:s22] =	ssyncadd.s32 s3;
	_ =	sdelay $0x1  }
0xa1: {  	s23 =	simm.s32 $0x1B8B  }
0xa2: {  	_ =	swait.ge [sflag:s23], $0x1  }
0xa3: {  	[sflag:s23] =	ssyncset.done $0x0  }
0xa4: {  	s25 =	simm.s32 $0x1B8E;
	s24 =	sld [smem:$0x3FFE];
	[sflag:s23] =	ssyncadd.s32 $0xFFFFFFFF  }
0xa5: {  	s26 =	simm.s32 $execute0_lowered;
	[smem:$0x3FD2] =	sst s25  }
0xa6: {  	s4 =	sshll.u32 s26, $0x1;
	_ =	strace $0x80000046;
	[dreg:$0x1] =	wrdreg $0xFFFFFFFF  }
0xa7: {  	s28 =	simm.s32 $_size_execute0_lowered;
	s2 =	sadd.s32 s2, s4;
	[dreg:$0x0] =	wrdreg $0x0  }
0xa8: {  	s4 =	sshll.u32 s28, $0x1;
	[dreg:$0x2] =	wrdreg s2  }
0xa9: {  	[dreg:$0x3] =	wrdreg s4  }
0xaa: {  	[dreg:$0x4] =	wrdreg $0xC0  }
0xab: {  	_ =	task [dreg:s6], $0x5FFFF  }
0xac: {  	[dreg:$0x1] =	wrdreg $0xFFFFFFFF  }
0xad: {  	[dreg:$0x0] =	wrdreg $0x60  }
0xae: {  	[dreg:$0x2] =	wrdreg s24  }
0xaf: {  	[dreg:$0x3] =	wrdreg $0x9  }
0xb0: {  	_ =	task.clear_ibuf [dreg:s6], $0x4FFFF;
	_ =	strace $0x90000046  }
0xb1: {  	s29 =	simm.s32 $0x9;
	_ =	strace $0x80000048  }
0xb2: {  	_ =	swait.ge [sflag:s29], $0x1  }
0xb3: {  	[sflag:s29] =	ssyncadd.s32 $0xFFFFFFFF  }
0xb4: {  	_ =	strace $0x90000048  }
0xb5: {  	_ =	sfence  }
0xb6: {  	s30 =	sld [smem:$0x0];
	_ =	sdelay $0x2  }
0xb7: {  	s31 =	sshll.u32 s1, $0xD;
	s1 =	sshrl.u32 s1, $0x2  }
0xb8: {  	s3 =	sand.u32 $0x4000, s31;
	s1 =	sadd.s32 s1, s30  }
0xb9: {  	s0 =	sor.u32 s3, s0;
	s1 =	sshll.u32 s1, $0x11  }
0xba: {  	s0 =	sor.u32 s1, s0  }
0xbb: {  	s0 =	sadd.s32 $0x8F2B, s0  }
0xbc: {  	[sflag:s0] =	ssyncadd.remote.s32 $0x1  }
0xbd: {  	_ =	sfence.sel $0xFFFF  }
0xbe: {  	[dreg:$0x0] =	wrdreg $0xFFFFFFFF;
	(pc) =	sbr.abs _section_cstart, $3  }
0xbf: {  	[dreg:$0x1] =	wrdreg $0xFFFFFFFF  }
0xc0: {  	_ =	task.clear_ibuf [dreg:s6], $0x2FFFF;
	_ =	strace $0x9FFFFFFF  }
0xc1: {  	(tm) =	ssettm $0x7FFFFFFF  }
tec
execute0_lowered:
.L_overlay_start_1:
0x0: {  	(tag) =	ssettag $0x1  }
0x1: {  	s4 =	rddreg [dreg:$0x0]  }
0x2: {  	s0 =	rddreg [dreg:$0x1];
	s2 =	simm.s32 $0x0;
	s5 =	srdreg.scid  }
0x3: {  	s1 =	stileid.u32;
	s10 =	simm.s32 $0x0;
	[smem:$0x7FF] =	sst s2  }
0x4: {  	s3 =	sadd.s32 $0x7C00, s4;
	s5 =	sand.u32 $0x1, s5;
	s6 =	sshll.u32 s1, $0xD  }
0x5: {  	s8 =	smul.u32 $0x30000, s1;
	_ =	strace $0x80000047;
	s7 =	sshll.u32 s5, $0xC  }
0x6: {  	s9 =	ssub.s32 $0x2, s5;
	s5 =	smul.u32 $0x18000, s5;
	s6 =	sor.u32 s7, s6  }
0x7: {  	s30 =	sshrl.u32 s9, $0x1;
	s8 =	sadd.s32 s8, s4;
	s6 =	sshrl.u32 s6, $0x3  }
0x8: {  	s7 =	ssub.s32 s9, s30;
	s31 =	sadd.s32 s5, s8;
	s8 =	simm.s32 $0x80  }
0x9: {  	s9 =	simm.s32 $0x1;
	s6 =	sadd.s32 s6, s4;
	s4 =	smax.u32 s7, $0x1  }
0xa: {  	s7 =	simm.s32 $0x2;
	s5 =	sadd.s32 $0x3C00, s6;
	s6 =	sadd.s32 $0x37C00, s31  }
.LBB2_1:
0xb: {  	s11 =	sadd.s32 $0x0, s5  }
0xc: {  	[tilespmem:s2], [sflag:$0x2] =	stream.linear.gather [hbm4b:s11+s2], $0x80, $0x38;
	[tilespmem:$0x6080] =	vst v63  }
0xd: {  	_ =	swait.ge [sflag:s7], $0x80  }
0xe: {  	[sflag:s7] =	ssyncset.done $0x0  }
0xf: {  	[sflag:s7] =	ssyncadd.s32 $0xFFFFFF80  }
0x10: {  	[tilespmem:s8], [sflag:$0x1] =	stream.indirect.gather [hbm4b:s3+s8], $0xC0, s2, s8, $0xb8;
	[tilespmem:$0x6080] =	vst v63  }
0x11: {  	_ =	swait.ge [sflag:s9], $0x6000  }
0x12: {  	[sflag:s9] =	ssyncset.done $0x0  }
0x13: {  	[sflag:s9] =	ssyncadd.s32 $0xFFFFA000  }
0x14: {  	[hbm4b:s6+s2] =	stream.linear.scatter [tilespmem:s8], [sflag:$0x2], $0x6000, $0x38;
	[tilespmem:$0x6080] =	vst v63  }
0x15: {  	s12 =	simm.s32 $0x10;
	_ =	swait.ge [sflag:s7], $0x6000  }
0x16: {  	s13 =	simm.s32 $0x20;
	s11 =	sadd.s32 $0xC00, s6;
	[sflag:s7] =	ssyncset.done $0x0  }
.LBB2_2:
0x17: {  	s14 =	sadd.s32 s12, s5  }
0x18: {  	[sflag:s7] =	ssyncadd.s32 $0xFFFFA000;
	s12 =	smov.u32 s13;
	s15 =	sadd.s32 $0x10, s13  }
0x19: {  	[tilespmem:s2], [sflag:$0x2] =	stream.linear.gather [hbm4b:s14+s2], $0x80, $0x38;
	[tilespmem:$0x6080] =	vst v63  }
0x1a: {  	p0 =	sne.s32 s13, $0x1F0;
	_ =	swait.ge [sflag:s7], $0x80  }
0x1b: {  	[sflag:s7] =	ssyncset.done $0x0  }
0x1c: {  	[sflag:s7] =	ssyncadd.s32 $0xFFFFFF80  }
0x1d: {  	[tilespmem:s8], [sflag:$0x1] =	stream.indirect.gather [hbm4b:s3+s8], $0xC0, s2, s8, $0xb8;
	[tilespmem:$0x6080] =	vst v63  }
0x1e: {  	_ =	swait.ge [sflag:s9], $0x6000  }
.Ltmp0:
0x1f: {  	[sflag:s9] =	ssyncset.done $0x0;
	(pc) =	sbr.rel @p0 .LBB2_2-.Ltmp0, $4  }
0x20: {  	[sflag:s9] =	ssyncadd.s32 $0xFFFFA000  }
0x21: {  	[hbm4b:s11+s2] =	stream.linear.scatter [tilespmem:s8], [sflag:$0x2], $0x6000, $0x38;
	[tilespmem:$0x6080] =	vst v63  }
0x22: {  	_ =	swait.ge [sflag:s7], $0x6000  }
0x23: {  	s13 =	smov.u32 s15;
	s11 =	sadd.s32 $0xC00, s11;
	[sflag:s7] =	ssyncset.done $0x0  }
0x24: {  	s12 =	sadd.s32 s12, s5;
	[sflag:s7] =	ssyncadd.s32 $0xFFFFA000  }
0x25: {  	[tilespmem:s2], [sflag:$0x2] =	stream.linear.gather [hbm4b:s12+s2], $0x80, $0x38;
	[tilespmem:$0x6080] =	vst v63  }
0x26: {  	_ =	swait.ge [sflag:s7], $0x80  }
0x27: {  	[sflag:s7] =	ssyncset.done $0x0  }
0x28: {  	[sflag:s7] =	ssyncadd.s32 $0xFFFFFF80  }
0x29: {  	[tilespmem:s8], [sflag:$0x1] =	stream.indirect.gather [hbm4b:s3+s8], $0xC0, s2, s8, $0xb8;
	[tilespmem:$0x6080] =	vst v63  }
0x2a: {  	s10 =	sadd.s32 $0x1, s10;
	_ =	swait.ge [sflag:s9], $0x6000  }
0x2b: {  	p0 =	sne.s32 s10, s4;
	[sflag:s9] =	ssyncset.done $0x0  }
.Ltmp1:
0x2c: {  	[sflag:s9] =	ssyncadd.s32 $0xFFFFA000;
	(pc) =	sbr.rel @p0 .LBB2_1-.Ltmp1, $4  }
0x2d: {  	[hbm4b:s11+s2] =	stream.linear.scatter [tilespmem:s8], [sflag:$0x2], $0x6000, $0x38;
	[tilespmem:$0x6080] =	vst v63  }
0x2e: {  	_ =	swait.ge [sflag:s7], $0x6000  }
0x2f: {  	[sflag:s7] =	ssyncset.done $0x0  }
0x30: {  	[sflag:s7] =	ssyncadd.s32 $0xFFFFA000  }
0x31: {  	_ =	sfence.sel $0x180000  }
0x32: {  	[bflag:$0x0] =	sbarrier.arrive $0xFFFF  }
0x33: {  	p0 =	sne.s32 s1, $0x0;
	_ =	strace $0x90000047  }
0x34: {  	s0 =	sadd.s32 @!p0 $0x100000, s0;
	[bflag:$0x2] =	sbarrier.arrive $0xFFFF  }
0x35: {  	[sflag:s0] =	ssyncadd.tile.s32 @!p0 $0x1;
	_ =	shalt  }
.Lfunc_end2:
_tile_overlayer_lowered:
.L_overlay_start_2:
0x36: {  	(tag) =	ssettag $0x2  }
0x37: {  	s0 =	rddreg [dreg:$0x0];
	s2 =	stileid.u32  }
0x38: {  	s1 =	rddreg [dreg:$0x1];
	p0 =	sne.s32 s2, $0x0  }
0x39: {  	s3 =	rddreg [dreg:$0x2];
	[bflag:$0x3] =	sbarrier.arrive $0xFFFF;
	s2 =	simm.s32 @!p0 $0x1C02  }
0x3a: {  	[timem:s3], [sflag:s2] =	dma.local @!p0 [hbm:s0], s1  }
0x3b: {  	s0 =	simm.s32 @!p0 $0x2  }
0x3c: {  	_ =	swait.ge @!p0 [sflag:s0], s1  }
0x3d: {  	s1 =	ssub.s32 @!p0 $0x0, s1;
	[sflag:s0] =	ssyncset.done @!p0 $0x0  }
0x3e: {  	[sflag:s0] =	ssyncadd.s32 @!p0 s1  }
0x3f: {  	[bflag:$0x3] =	sbarrier.arrive $0xFFFF  }
0x40: {  	_ =	shalt  }

// kernel: sparse-core-data-format-call.cloned.1.call-start
scs
called_computation_lowered:
.L_overlay_start_0:
0x0: {  	s2 =	sld [smem:$0x3FD9]  }
0x1: {  	s3 =	sld [smem:$0x3FFE];
	_ =	sdelay $0x1  }
0x2: {  	s1 =	srdreg.scid  }
0x3: {  	s0 =	sand.u32 $0x1, s1  }
0x4: {  	s15 =	sshll.u32 s0, $0xA;
	s2 =	sadd.s32 s3, s2  }
0x5: {  	s2 =	sadd.s32 s2, s15  }
0x6: {  	[smem:$0x3FB6] =	sst s2  }
0x7: {  	_ = 	snop  }
0x8: {  	s2 =	sld [smem:$0x3FD0];
	_ =	sdelay $0x2  }
0x9: {  	s16 =	simm.s32 $0xA;
	s4 =	simm.s32 $0x10  }
0xa: {  	[smem:s4], [sflag:s16] =	dma.local [hbm:s2], $0x1  }
0xb: {  	_ =	swait.eq [sflag:s16], $0x1  }
0xc: {  	[sflag:s16] =	ssyncset.done $0x0  }
0xd: {  	[sflag:s16] =	ssyncadd.s32 $0xFFFFFFFF  }
0xe: {  	s17 =	sld [smem:$0x11];
	(tm) =	ssettm $0x1  }
0xf: {  	s18 =	sld [smem:$0x3FFB];
	_ =	sdelay $0x3  }
0x10: {  	_ =	strace s18  }
0x11: {  	s3 =	sld [smem:$0x3FFC];
	_ =	sdelay $0x3  }
0x12: {  	_ =	strace s3  }
0x13: {  	s3 =	sld [smem:$0x3FFD];
	_ =	sdelay $0x3  }
0x14: {  	_ =	strace s3  }
0x15: {  	_ =	strace $0x8FFFFFFF  }
0x16: {  	s19 =	sld [smem:$0x3FDB];
	_ =	sdelay $0x1  }
0x17: {  	s20 =	simm.s32 $_scs_section_size  }
0x18: {  	s5 =	simm.s32 $_size__tile_overlayer_lowered;
	s6 =	simm.s32 $_tile_overlayer_lowered  }
0x19: {  	s23 =	simm.s32 $0x1BFF;
	s22 =	sshll.u32 s6, $0x1;
	s3 =	sadd.s32 s20, s19  }
0x1a: {  	s7 =	simm.s32 $0x0;
	s21 =	sshll.u32 s5, $0x1;
	s5 =	sadd.s32 s22, s3  }
0x1b: {  	[timem:s7], [sflag:s23] =	dma.local [hbm:s5], s21  }
0x1c: {  	_ =	swait.ge [sflag:s23], s21  }
0x1d: {  	s4 =	ssub.s32 $0x0, s21;
	[sflag:s23] =	ssyncset.done $0x0  }
0x1e: {  	[sflag:s23] =	ssyncadd.s32 s4;
	_ =	sdelay $0x1  }
0x1f: {  	s24 =	simm.s32 $0x1B8B  }
0x20: {  	_ =	swait.ge [sflag:s24], $0x1  }
0x21: {  	[sflag:s24] =	ssyncset.done $0x0  }
0x22: {  	s26 =	simm.s32 $0x1B8E;
	s25 =	sld [smem:$0x3FFE];
	[sflag:s24] =	ssyncadd.s32 $0xFFFFFFFF  }
0x23: {  	s27 =	simm.s32 $execute0_lowered;
	[smem:$0x3FD2] =	sst s26  }
0x24: {  	s5 =	sshll.u32 s27, $0x1;
	_ =	strace $0x80000049;
	[dreg:$0x1] =	wrdreg $0xFFFFFFFF  }
0x25: {  	s28 =	simm.s32 $_size_execute0_lowered;
	s3 =	sadd.s32 s3, s5;
	[dreg:$0x0] =	wrdreg $0x0  }
0x26: {  	s5 =	sshll.u32 s28, $0x1;
	[dreg:$0x2] =	wrdreg s3  }
0x27: {  	[dreg:$0x3] =	wrdreg s5  }
0x28: {  	[dreg:$0x4] =	wrdreg $0xC0  }
0x29: {  	_ =	task [dreg:s7], $0x5FFFF  }
0x2a: {  	[dreg:$0x1] =	wrdreg $0xFFFFFFFF  }
0x2b: {  	[dreg:$0x0] =	wrdreg $0x60  }
0x2c: {  	[dreg:$0x2] =	wrdreg s25  }
0x2d: {  	[dreg:$0x3] =	wrdreg s17  }
0x2e: {  	[dreg:$0x4] =	wrdreg $0x9  }
0x2f: {  	_ =	task.clear_ibuf [dreg:s7], $0x5FFFF;
	_ =	strace $0x90000049  }
0x30: {  	s29 =	simm.s32 $0x9;
	_ =	strace $0x8000004B  }
0x31: {  	_ =	swait.ge [sflag:s29], $0x1  }
0x32: {  	[sflag:s29] =	ssyncadd.s32 $0xFFFFFFFF  }
0x33: {  	_ =	strace $0x9000004B  }
0x34: {  	_ =	sfence  }
0x35: {  	s30 =	sld [smem:$0x0];
	_ =	sdelay $0x2  }
0x36: {  	s31 =	sshll.u32 s1, $0xD;
	s1 =	sshrl.u32 s1, $0x2  }
0x37: {  	s3 =	sand.u32 $0x4000, s31;
	s1 =	sadd.s32 s1, s30  }
0x38: {  	s0 =	sor.u32 s3, s0;
	s1 =	sshll.u32 s1, $0x11  }
0x39: {  	s0 =	sor.u32 s1, s0  }
0x3a: {  	s0 =	sadd.s32 $0x8F2B, s0  }
0x3b: {  	[sflag:s0] =	ssyncadd.remote.s32 $0x1  }
0x3c: {  	_ =	sfence.sel $0xFFFF  }
0x3d: {  	[dreg:$0x0] =	wrdreg $0xFFFFFFFF;
	(pc) =	sbr.abs _section_cstart, $3  }
0x3e: {  	[dreg:$0x1] =	wrdreg $0xFFFFFFFF  }
0x3f: {  	_ =	task.clear_ibuf [dreg:s7], $0x2FFFF;
	_ =	strace $0x9FFFFFFF  }
0x40: {  	(tm) =	ssettm $0x7FFFFFFF  }
0x41: {  	_ =	shalt  }
tec
execute0_lowered:
.L_overlay_start_1:
0x0: {  	(tag) =	ssettag $0x1  }
0x1: {  	s0 =	stileid.u32  }
0x2: {  	s1 =	srdreg.scid;
	s5 =	rddreg [dreg:$0x0];
	s31 =	simm.s32 $0x2  }
0x3: {  	s14 =	simm.s32 $0x0;
	s2 =	sshll.u32 s0, $0x6;
	s1 =	sshll.u32 s1, $0xA  }
0x4: {  	s9 =	simm.s32 $0x8000;
	s15 =	simm.s32 $0x0;
	s1 =	sor.u32 s2, s1  }
0x5: {  	s16 =	simm.s32 $0x0;
	s10 =	simm.s32 $0x0;
	s1 =	sand.u32 $0x780, s1  }
0x6: {  	s13 =	simm.s32 $0x0;
	s2 =	sand.u32 $0x1, s0;
	s3 =	ssub.s32 $0x1000, s1  }
0x7: {  	s5 =	sadd.s32 $0x3C00, s5;
	s4 =	ssub.s32 $0x2, s2;
	s6 =	sand.u32 $0x780, s3  }
0x8: {  	s7 =	sshrl.u32 s4, $0x1;
	p0 =	sne.s32 s6, $0x0;
	s6 =	simm.s32 $0x1  }
0x9: {  	s8 =	sand.u32 $0x1, s4;
	s3 =	sshrl.u32 s3, $0xB;
	s6 =	simm.s32 @!p0 $0x0  }
.Ltmp0:
0xa: {  	s7 =	sadd.s32 s8, s7;
	s6 =	sadd.s32 s6, s3;
	(pc) =	sbr.rel .LBB1_1-.Ltmp0, $4  }
0xb: {  	s12 =	smov.u32 s2;
	s4 =	rddreg [dreg:$0x1];
	s7 =	smul.u32 s6, s7  }
0xc: {  	s3 =	rddreg [dreg:$0x2];
	_ =	strace $0x8000004A;
	s6 =	simm.s32 $0x1  }
0xd: {  	s11 =	smov.u32 s1;
	[sflag:s6] =	ssyncpa.u1 $0x0;
	s7 =	sshll.u32 s7, $0x4  }
0xe: {  	p0 =	por $0x0, $0x0;
	[sflag:s31] =	ssyncpa.u1 $0x0;
	s8 =	sor.u32 $0x1, s7  }
.LBB1_4:
0xf: {  	s19 =	sshll.u32 s15, $0x3  }
0x10: {  	s20 =	sand.u32 $0x78, s15;
	s16 =	sshll.u32 s16, $0x13;
	s30 =	sand.u32 $0x7E00, s15  }
0x11: {  	s14 =	sshll.u32 s14, $0xF;
	s19 =	sand.u32 $0xC00, s19;
	s16 =	sadd.s32 s4, s16  }
0x12: {  	[tilespmem:s18+$0x810 ss:$0x81] =	vst.msk $0xffff, v2;
	s31 =	sand.u32 $0x7, s15;
	s19 =	sor.u32 s20, s19;
	s16 =	sadd.s32 s30, s16  }
0x13: {  	[tilespmem:s18+$0x1020 ss:$0x81] =	vst.msk $0xffff, v0;
	s15 =	sshll.u32 s31, $0x12;
	s19 =	sshrl.u32 s19, $0x3;
	s14 =	sadd.s32 s14, s16  }
0x14: {  	[tilespmem:s18+$0x0 ss:$0x81] =	vst.msk $0xffff, v1;
	s15 =	sor.u32 $0x400, s15;
	s14 =	sadd.s32 s19, s14  }
0x15: {  	[hbm4b:s14+s15] =	stream.strided.scatter [tilespmem:s17], [sflag:$0x2], $0x2000, s9, s15, $0x20;
	[tilespmem:$0x8080] =	vst v63  }
.LBB1_5:
0x16: {  	s17 =	sadd.s32 $0x1, s10  }
0x17: {  	s14 =	sadd.s32 $0x800, s11;
	s18 =	smov.u32 s11;
	p2 =	sgt.s32 s17, $0xF  }
0x18: {  	s18 =	smov.u32 @p2 s14  }
0x19: {  	s20 =	smov.u32 s12;
	s14 =	sadd.s32 $0x2, s12;
	p3 =	sgt.s32 s18, $0xFFF  }
0x1a: {  	s20 =	smov.u32 @p3 s14  }
0x1b: {  	s17 =	simm.s32 @p2 $0x0;
	p2 =	sgt.s32 s20, $0x1  }
0x1c: {  	p1 =	slt.u32 s13, $0x2;
	s20 =	smov.u32 @p2 s2;
	p2 =	sne.s32 s13, s8  }
.Ltmp1:
0x1d: {  	s19 =	simm.s32 @!p1 $0x2;
	(pc) =	sbr.rel @!p2 .LBB1_6-.Ltmp1, $4  }
0x1e: {  	s15 =	smov.u32 s11;
	s16 =	smov.u32 s12;
	_ =	swait.ge @!p1 [sflag:s19], $0x2000  }
0x1f: {  	p0 =	por !p0, !p0;
	[sflag:s19] =	ssyncset.done @!p1 $0x0;
	s18 =	smov.u32 @p3 s1  }
0x20: {  	s14 =	smov.u32 s10;
	[sflag:s19] =	ssyncadd.s32 @!p1 $0xFFFFE000;
	s10 =	smov.u32 s17  }
0x21: {  	s11 =	smov.u32 s18;
	s13 =	sadd.s32 $0x1, s13;
	s12 =	smov.u32 s20  }
.LBB1_1:
0x22: {  	p1 =	sge.u32 s13, s7;
	s31 =	sadd.s32 $0xFFFFFFFF, s13  }
0x23: {  	s17 =	sxor.u32 @!p1 $0xFFFFFFFF, s13;
	s18 =	sshll.u32 @!p1 s12, $0x14;
	s19 =	sshll.u32 @!p1 s11, $0x8  }
0x24: {  	s20 =	sshll.u32 @!p1 s10, $0x4;
	s17 =	sshll.u32 @!p1 s17, $0xD;
	s18 =	sadd.s32 @!p1 s5, s18  }
0x25: {  	s20 =	sand.u32 @!p1 $0xF0, s20;
	s17 =	sand.u32 @!p1 $0x2000, s17;
	s18 =	sadd.s32 @!p1 s19, s18  }
0x26: {  	s19 =	simm.s32 @!p1 $0x40;
	s18 =	sadd.s32 @!p1 s20, s18;
	s20 =	simm.s32 @!p1 $0x800  }
0x27: {  	[tilespmem:s17], [sflag:$0x1] =	stream.strided.gather @!p1 [hbm4b:s18+s19], $0x2000, s20, s19, $0x38;
	[tilespmem:$0x8080] =	vst v63  }
0x28: {  	p1 =	sge.u32 s31, s7  }
.Ltmp2:
0x29: {  	_ = 	snop;
	(pc) =	sbr.rel @p1 .LBB1_5-.Ltmp2, $1  }
0x2a: {  	_ =	sdelay $0x3  }
0x2b: {  	s17 =	simm.s32 $0x1  }
0x2c: {  	_ =	swait.ge [sflag:s6], $0x2000;
	s17 =	simm.s32 @!p0 $0x0  }
0x2d: {  	[sflag:s6] =	ssyncset.done $0x0;
	s18 =	sshll.u32 s17, $0xD  }
0x2e: {  	[sflag:s6] =	ssyncadd.s32 $0xFFFFE000;
	s21 =	sor.u32 $0x20, s18  }
0x2f: {  	s17 =	smul.u32 $0x8100, s17;
	v3 =	vld [tilespmem:s21+$0x10]  }
0x30: {  	s30 =	sand.u32 $0x1, s13;
	v2 =	vld [tilespmem:s21+$0xFFFFFFF0]  }
0x31: {  	s18 =	smul.u32 $0x8100, s30;
	s17 =	sshrl.u32 s17, $0x2;
	v0 =	vld [tilespmem:s21+$0x0]  }
0x32: {  	v1 =	vld [tilespmem:s21+$0xFFFFFFE0];
	s19 =	sor.u32 $0x4000, s17  }
0x33: {  	s31 =	sshrl.u32 s18, $0x2;
	s18 =	sadd.s32 $0x0, s19  }
0x34: {  	s20 =	simm.s32 $0x4;
	s21 =	sadd.s32 $0x40, s21;
	s17 =	sor.u32 $0x4000, s31;
	[tilespmem:s18+$0x1830 ss:$0x81] =	vst.msk $0xffff, v3  }
.LBB1_3:
0x35: {  	v3 =	vld [tilespmem:s21+$0x10];
	p1 =	sne.s32 s20, $0x1FC;
	[tilespmem:s18+$0x810 ss:$0x81] =	vst.msk $0xffff, v2;
	s22 =	smov.u32 s20;
	s20 =	sadd.s32 $0x4, s20  }
.Ltmp3:
0x36: {  	v2 =	vld [tilespmem:s21+$0xFFFFFFF0];
	[tilespmem:s18+$0x1020 ss:$0x81] =	vst.msk $0xffff, v0;
	(pc) =	sbr.rel @p1 .LBB1_3-.Ltmp3, $4  }
0x37: {  	v0 =	vld [tilespmem:s21+$0x0];
	[tilespmem:s18+$0x0 ss:$0x81] =	vst.msk $0xffff, v1  }
0x38: {  	s18 =	sshra.s32 s22, $0x2;
	v1 =	vld [tilespmem:s21+$0xFFFFFFE0]  }
0x39: {  	s18 =	sadd.s32 s18, s19  }
0x3a: {  	s21 =	sadd.s32 $0x40, s21;
	[tilespmem:s18+$0x1830 ss:$0x81] =	vst.msk $0xffff, v3  }
.Ltmp4:
0x3b: {  	_ = 	snop;
	(pc) =	sbr.rel .LBB1_4-.Ltmp4, $1  }
0x3c: {  	_ =	sdelay $0x3  }
.LBB1_6:
0x3d: {  	_ =	sfence.sel $0x180000  }
0x3e: {  	s1 =	simm.s32 $0x1;
	[bflag:$0x0] =	sbarrier.arrive $0xFFFF  }
0x3f: {  	s31 =	simm.s32 $0x2;
	[sflag:s1] =	ssyncpa.u1 $0x1  }
0x40: {  	[sflag:s31] =	ssyncpa.u1 $0x1  }
0x41: {  	p0 =	sne.s32 s0, $0x0;
	_ =	strace $0x9000004A  }
0x42: {  	s0 =	sadd.s32 @!p0 $0x100000, s3;
	[bflag:$0x2] =	sbarrier.arrive $0xFFFF  }
0x43: {  	[sflag:s0] =	ssyncadd.tile.s32 @!p0 $0x1;
	_ =	shalt  }
.Lfunc_end1:
_tile_overlayer_lowered:
.L_overlay_start_2:
0x44: {  	(tag) =	ssettag $0x2  }
0x45: {  	s0 =	rddreg [dreg:$0x0];
	s2 =	stileid.u32  }
0x46: {  	s1 =	rddreg [dreg:$0x1];
	p0 =	sne.s32 s2, $0x0  }
0x47: {  	s3 =	rddreg [dreg:$0x2];
	[bflag:$0x3] =	sbarrier.arrive $0xFFFF;
	s2 =	simm.s32 @!p0 $0x1C01  }
0x48: {  	[timem:s3], [sflag:s2] =	dma.local @!p0 [hbm:s0], s1  }
0x49: {  	s0 =	simm.s32 @!p0 $0x1  }
0x4a: {  	_ =	swait.ge @!p0 [sflag:s0], s1  }
0x4b: {  	s1 =	ssub.s32 @!p0 $0x0, s1;
	[sflag:s0] =	ssyncset.done @!p0 $0x0  }
0x4c: {  	[sflag:s0] =	ssyncadd.s32 @!p0 s1  }
0x4d: {  	[bflag:$0x3] =	sbarrier.arrive $0xFFFF  }
0x4e: {  	_ =	shalt  }

</sc_bundles>
